<compile_context>
chip_gen: v7x
topology: tpu7x:2x2x1
jax: 0.10.2.dev20260603
libtpu: 0.0.44.dev20260713+nightly
codegen_flags: <defaults>
</compile_context>

<pallas_src>
import functools

import jax
import jax.numpy as jnp
from jax import lax
from jax.experimental import pallas as pl
from jax.experimental.pallas import tpu as pltpu
from jax.experimental.pallas import tpu_sc as plsc

_NC = 2
_NS = 16


def _swish(x):
    return x * jax.nn.sigmoid(x)



def _t0_body(state_ref, emb_ref, w_ref, b_ref, out_ref):
    st = state_ref[...]
    e0 = emb_ref[0:1, :]
    e1 = emb_ref[1:2, :]
    h = jnp.where(st == 0, e0, e1)
    x = jnp.dot(h, w_ref[...], preferred_element_type=jnp.float32) + b_ref[...]
    out_ref[...] = _swish(x)


def _tmid_body(hfp_ref, agg_ref, w_ref, b_ref, wl_ref, hf_out, c_out, z_out):
    n = hfp_ref.shape[0]
    npad = agg_ref.shape[0] // 2
    h = hfp_ref[...] + agg_ref[0:n, :] + agg_ref[npad:npad + n, :]
    x = jnp.dot(h, w_ref[...], preferred_element_type=jnp.float32) + b_ref[...]
    hf_out[...] = _swish(x)
    c_out[...] = jnp.dot(h, wl_ref[...], preferred_element_type=jnp.float32)
    z_out[...] = jnp.sum(h, axis=0, keepdims=True)


def _t3_body(hf3_ref, agg_ref, c1_ref, c2_ref, wl3_ref, bl_ref, z1_ref,
             z2_ref, wv_ref, bv_ref, logits_out, values_out):
    n = hf3_ref.shape[0]
    npad = agg_ref.shape[0] // 2
    hh = wv_ref.shape[0] // 3
    h = hf3_ref[...] + agg_ref[0:n, :] + agg_ref[npad:npad + n, :]
    c3 = jnp.dot(h, wl3_ref[...], preferred_element_type=jnp.float32)
    t = c1_ref[...] + c2_ref[...] + c3 + bl_ref[0, 0]
    logits_out[...] = _swish(t)
    z3 = jnp.sum(h, axis=0, keepdims=True)
    v = (jnp.dot(z1_ref[...], wv_ref[0:hh, :], preferred_element_type=jnp.float32)
         + jnp.dot(z2_ref[...], wv_ref[hh:2 * hh, :], preferred_element_type=jnp.float32)
         + jnp.dot(z3, wv_ref[2 * hh:3 * hh, :], preferred_element_type=jnp.float32)
         + bv_ref[0, 0])
    values_out[...] = _swish(v)



def _mp_body(n, e, h, ch, hf_hbm, src_hbm, dst_hbm, zero_hbm, out_hbm,
             shared_agg, src_v, dst_v, rows_v, sem):
    c = lax.axis_index("c")
    s = lax.axis_index("s")
    rows_per_sub = shared_agg.shape[0] // _NS

    pltpu.sync_copy(zero_hbm.at[pl.ds(s * rows_per_sub, rows_per_sub)],
                    shared_agg.at[pl.ds(s * rows_per_sub, rows_per_sub)])
    plsc.subcore_barrier()

    per_sub = e // (_NC * _NS)
    base = c * (e // _NC) + s * per_sub
    n_chunks = per_sub // ch

    def body(i, carry):
        off = base + i * ch
        pltpu.sync_copy(src_hbm.at[pl.ds(off, ch)], src_v)
        pltpu.sync_copy(dst_hbm.at[pl.ds(off, ch)], dst_v)
        pltpu.async_copy(hf_hbm.at[src_v], rows_v, sem).wait()
        pltpu.sync_copy(rows_v, shared_agg.at[dst_v], add=True)
        return carry

    lax.fori_loop(0, n_chunks, body, 0)
    plsc.subcore_barrier()

    npad = shared_agg.shape[0]
    pltpu.sync_copy(shared_agg.at[pl.ds(s * rows_per_sub, rows_per_sub)],
                    out_hbm.at[pl.ds(c * npad + s * rows_per_sub, rows_per_sub)])


def _round_up(x, m):
    return ((x + m - 1) // m) * m


def _make_mp(n, e, h, ch):
    npad = _round_up(-(-n // _NS), 8) * _NS
    mesh = plsc.VectorSubcoreMesh(core_axis_name="c", subcore_axis_name="s")
    return pl.kernel(
        functools.partial(_mp_body, n, e, h, ch),
        out_type=jax.ShapeDtypeStruct((_NC * npad, h), jnp.float32),
        mesh=mesh,
        scratch_types=[
            pltpu.VMEM_SHARED((npad, h), jnp.float32),
            pltpu.VMEM((ch,), jnp.int32),
            pltpu.VMEM((ch,), jnp.int32),
            pltpu.VMEM((ch, h), jnp.float32),
            pltpu.SemaphoreType.DMA,
        ],
    )



def kernel(state, edge_index, emb, W0, b0, W1, b1, W2, b2, Wl, bl, Wv, bv):
    n = state.shape[0]
    e = edge_index.shape[1]
    h = emb.shape[1]

    src = edge_index[0].astype(jnp.int32)
    dst = edge_index[1].astype(jnp.int32)
    state2 = state.reshape(n, 1).astype(jnp.int32)
    npad = _round_up(-(-n // _NS), 8) * _NS
    zeros = jnp.zeros((npad, h), jnp.float32)

    fdt = jnp.float32
    t0 = pl.pallas_call(
        _t0_body, out_shape=jax.ShapeDtypeStruct((n, h), fdt))
    tmid = pl.pallas_call(
        _tmid_body,
        out_shape=(jax.ShapeDtypeStruct((n, h), fdt),
                   jax.ShapeDtypeStruct((n, 1), fdt),
                   jax.ShapeDtypeStruct((1, h), fdt)))
    t3 = pl.pallas_call(
        _t3_body,
        out_shape=(jax.ShapeDtypeStruct((n, 1), fdt),
                   jax.ShapeDtypeStruct((1, 1), fdt)))

    mp = _make_mp(n, e, h, ch=80)

    hf1 = t0(state2, emb, W0, b0.reshape(1, h))
    agg1 = mp(hf1, src, dst, zeros)
    hf2, c1, z1 = tmid(hf1, agg1, W1, b1.reshape(1, h), Wl[0:h])
    agg2 = mp(hf2, src, dst, zeros)
    hf3, c2, z2 = tmid(hf2, agg2, W2, b2.reshape(1, h), Wl[h:2 * h])
    agg3 = mp(hf3, src, dst, zeros)
    logits2, values = t3(hf3, agg3, c1, c2, Wl[2 * h:3 * h],
                         bl.reshape(1, 1), z1, z2, Wv, bv.reshape(1, 1))
    return logits2.reshape(n), values

# --- scband reference (transcript-rebuilt; emitter-appended) ---
"""Pipeline reference for scband-ginlocator-32341103739012 (READ-ONLY COPY).

The authoritative reference and input builder live on the scoring server;
editing this copy changes nothing except your own understanding.
"""

import jax, jax.numpy as jnp
import numpy as np

N = 10000
E = 320000
H = 128
L = 3
N_STATES = 2

def swish(x):
    return x * jax.nn.sigmoid(x)

def setup_inputs(seed: int = 0) -> dict:
    key = jax.random.key(seed)
    ks = jax.random.split(key, 16)
    state = jax.random.randint(ks[0], (N,), 0, N_STATES)
    edge_index = jax.random.randint(ks[1], (2, E), 0, N)
    emb = jax.random.normal(ks[2], (N_STATES, H), dtype=jnp.float32) * 0.02
    W0 = jax.random.normal(ks[3], (H, H), dtype=jnp.float32) * (1.0 / np.sqrt(H))
    b0 = jnp.zeros((H,), dtype=jnp.float32)
    W1 = jax.random.normal(ks[4], (H, H), dtype=jnp.float32) * (1.0 / np.sqrt(H))
    b1 = jnp.zeros((H,), dtype=jnp.float32)
    W2 = jax.random.normal(ks[5], (H, H), dtype=jnp.float32) * (1.0 / np.sqrt(H))
    b2 = jnp.zeros((H,), dtype=jnp.float32)
    Wl = jax.random.normal(ks[6], (H * L, 1), dtype=jnp.float32) * (1.0 / np.sqrt(H * L))
    bl = jnp.zeros((1,), dtype=jnp.float32)
    Wv = jax.random.normal(ks[7], (H * L, 1), dtype=jnp.float32) * (1.0 / np.sqrt(H * L))
    bv = jnp.zeros((1,), dtype=jnp.float32)
    return {"state": state, "edge_index": edge_index, "emb": emb,
            "W0": W0, "b0": b0, "W1": W1, "b1": b1, "W2": W2, "b2": b2,
            "Wl": Wl, "bl": bl, "Wv": Wv, "bv": bv}

def reference(state, edge_index, emb, W0, b0, W1, b1, W2, b2, Wl, bl, Wv, bv):
    # state embedding lookup (gather)
    h = jnp.take(emb, state, axis=0)
    src = edge_index[0]
    dst = edge_index[1]
    hs = []
    # GINConv with apply_func=None, eps=0: h_out = (1+eps)*h + sum_{j in N(i)} h_j
    for (W, b) in ((W0, b0), (W1, b1), (W2, b2)):
        hf = swish(h @ W + b)                      # make_linear_block (dropout=0)
        msgs = jnp.take(hf, src, axis=0)           # gather source node feats
        agg = jax.ops.segment_sum(msgs, dst, num_segments=N)  # scatter-add to dst
        h = hf + agg
        hs.append(h)
    Hcat = jnp.concatenate(hs, axis=1)             # g.ndata['h'] = cat(hs)
    z = jnp.sum(Hcat, axis=0, keepdims=True)       # dgl.sum_nodes (single graph)
    values = swish(z @ Wv + bv)
    logits = swish(Hcat @ Wl + bl).squeeze(-1)
    return (logits, values)

if __name__ == "__main__":
    import jax
    _d = setup_inputs()
    print(jax.jit(kernel)(*tuple(_d.values())))

</pallas_src>

<mosaic_0001>
#map = affine_map<(d0, d1) -> (0, 0)>
#map1 = affine_map<(d0, d1) -> (0)>
module attributes {stable_mosaic.version = 14 : i64} {
  func.func @_mp_body(%arg0: i32, %arg1: i32, %arg2: memref<10000x128xf32, #tpu.memory_space<hbm>>, %arg3: memref<320000xi32, #tpu.memory_space<hbm>>, %arg4: memref<320000xi32, #tpu.memory_space<hbm>>, %arg5: memref<10112x128xf32, #tpu.memory_space<hbm>>, %arg6: memref<20224x128xf32, #tpu.memory_space<hbm>>, %arg7: memref<10112x128xf32, #tpu.memory_space<vmem_shared>>, %arg8: memref<80xi32, #tpu.memory_space<vmem>>, %arg9: memref<80xi32, #tpu.memory_space<vmem>>, %arg10: memref<80x128xf32, #tpu.memory_space<vmem>>, %arg11: memref<!tpu.dma_semaphore, #tpu.memory_space<semaphore_mem>>) attributes {dimension_semantics = [#tpu.dimension_semantics<core_parallel>, #tpu.dimension_semantics<subcore_parallel>], iteration_bounds = array<i64: 2, 16>, scalar_prefetch = 0 : i64, scratch_operands = 5 : i64, tpu.core_type = #tpu.core_type<sc_vector_subcore>, window_params = [{transform_indices = #map}, {transform_indices = #map1}, {transform_indices = #map1}, {transform_indices = #map}, {transform_indices = #map}]} {
    %mul3A = arith.constant 632 : i32
    %mul3A_0 = arith.muli %arg1, %mul3A : i32
    %mul3A_1 = arith.constant 632 : i32
    %mul3A_2 = arith.muli %arg1, %mul3A_1 : i32
    "tpu.region"() ({
      %run_scoped3A = tpu.sem_alloc : memref<!tpu.dma_semaphore, #tpu.memory_space<semaphore_mem>>
      %dma_start3A = arith.constant 0 : i32
      %dma_start3A_20 = tpu.memref_slice %arg7[%mul3A_2, %dma_start3A] : memref<10112x128xf32, #tpu.memory_space<vmem_shared>> -> memref<632x128xf32, #tpu.memory_space<vmem_shared>>
      %dma_start3A_21 = arith.constant 0 : i32
      %dma_start3A_22 = tpu.memref_slice %arg5[%mul3A_0, %dma_start3A_21] : memref<10112x128xf32, #tpu.memory_space<hbm>> -> memref<632x128xf32, #tpu.memory_space<hbm>>
      tpu.enqueue_dma source(%dma_start3A_22 : memref<632x128xf32, #tpu.memory_space<hbm>>) target(%dma_start3A_20 : memref<632x128xf32, #tpu.memory_space<vmem_shared>>) target_semaphore(%run_scoped3A : memref<!tpu.dma_semaphore, #tpu.memory_space<semaphore_mem>>)
      %dma_wait3A = arith.constant 0 : i32
      %dma_wait3A_23 = tpu.memref_slice %arg7[%mul3A_2, %dma_wait3A] : memref<10112x128xf32, #tpu.memory_space<vmem_shared>> -> memref<632x128xf32, #tpu.memory_space<vmem_shared>>
      %dma_wait3A_24 = arith.constant 0 : i32
      %dma_wait3A_25 = tpu.memref_slice %arg5[%mul3A_0, %dma_wait3A_24] : memref<10112x128xf32, #tpu.memory_space<hbm>> -> memref<632x128xf32, #tpu.memory_space<hbm>>
      tpu.wait_dma2 semaphore(%run_scoped3A : memref<!tpu.dma_semaphore, #tpu.memory_space<semaphore_mem>>) src(%dma_wait3A_25 : memref<632x128xf32, #tpu.memory_space<hbm>>) dst(%dma_wait3A_23 : memref<632x128xf32, #tpu.memory_space<vmem_shared>>)
      tpu.yield
    }) : () -> ()
    %barrier3A = arith.constant 0 : index
    tpu.barrier barrier_id(%barrier3A)
    %mul3A_3 = arith.constant 160000 : i32
    %mul3A_4 = arith.muli %arg0, %mul3A_3 : i32
    %mul3A_5 = arith.constant 10000 : i32
    %mul3A_6 = arith.muli %arg1, %mul3A_5 : i32
    %add3A = arith.addi %mul3A_4, %mul3A_6 : i32
    %scan3A = arith.constant 0 : i32
    %scan3A_7 = arith.constant 0 : i32
    %scan3A_8 = arith.constant 125 : i32
    %scan3A_9 = arith.addi %scan3A_7, %scan3A_8 : i32
    %scan3A_10 = arith.constant 1 : i32
    scf.for %scan3A_20 = %scan3A_7 to %scan3A_9 step %scan3A_10  : i32 {
      %mul3A_21 = arith.constant 80 : i32
      %mul3A_22 = arith.muli %scan3A_20, %mul3A_21 : i32
      %add3A_23 = arith.addi %add3A, %mul3A_22 : i32
      "tpu.region"() ({
        %run_scoped3A = tpu.sem_alloc : memref<!tpu.dma_semaphore, #tpu.memory_space<semaphore_mem>>
        %dma_start3A_28 = tpu.memref_slice %arg3[%add3A_23] : memref<320000xi32, #tpu.memory_space<hbm>> -> memref<80xi32, #tpu.memory_space<hbm>>
        %dma_start3A_29 = tpu.memref_slice %arg3[%add3A_23] : memref<320000xi32, #tpu.memory_space<hbm>> -> memref<80xi32, #tpu.memory_space<hbm>>
        tpu.enqueue_dma source(%dma_start3A_29 : memref<80xi32, #tpu.memory_space<hbm>>) target(%arg8 : memref<80xi32, #tpu.memory_space<vmem>>) target_semaphore(%run_scoped3A : memref<!tpu.dma_semaphore, #tpu.memory_space<semaphore_mem>>)
        %dma_wait3A_30 = tpu.memref_slice %arg3[%add3A_23] : memref<320000xi32, #tpu.memory_space<hbm>> -> memref<80xi32, #tpu.memory_space<hbm>>
        %dma_wait3A_31 = tpu.memref_slice %arg3[%add3A_23] : memref<320000xi32, #tpu.memory_space<hbm>> -> memref<80xi32, #tpu.memory_space<hbm>>
        tpu.wait_dma2 semaphore(%run_scoped3A : memref<!tpu.dma_semaphore, #tpu.memory_space<semaphore_mem>>) src(%dma_wait3A_31 : memref<80xi32, #tpu.memory_space<hbm>>) dst(%arg8 : memref<80xi32, #tpu.memory_space<vmem>>)
        tpu.yield
      }) : () -> ()
      "tpu.region"() ({
        %run_scoped3A = tpu.sem_alloc : memref<!tpu.dma_semaphore, #tpu.memory_space<semaphore_mem>>
        %dma_start3A_28 = tpu.memref_slice %arg4[%add3A_23] : memref<320000xi32, #tpu.memory_space<hbm>> -> memref<80xi32, #tpu.memory_space<hbm>>
        %dma_start3A_29 = tpu.memref_slice %arg4[%add3A_23] : memref<320000xi32, #tpu.memory_space<hbm>> -> memref<80xi32, #tpu.memory_space<hbm>>
        tpu.enqueue_dma source(%dma_start3A_29 : memref<80xi32, #tpu.memory_space<hbm>>) target(%arg9 : memref<80xi32, #tpu.memory_space<vmem>>) target_semaphore(%run_scoped3A : memref<!tpu.dma_semaphore, #tpu.memory_space<semaphore_mem>>)
        %dma_wait3A_30 = tpu.memref_slice %arg4[%add3A_23] : memref<320000xi32, #tpu.memory_space<hbm>> -> memref<80xi32, #tpu.memory_space<hbm>>
        %dma_wait3A_31 = tpu.memref_slice %arg4[%add3A_23] : memref<320000xi32, #tpu.memory_space<hbm>> -> memref<80xi32, #tpu.memory_space<hbm>>
        tpu.wait_dma2 semaphore(%run_scoped3A : memref<!tpu.dma_semaphore, #tpu.memory_space<semaphore_mem>>) src(%dma_wait3A_31 : memref<80xi32, #tpu.memory_space<hbm>>) dst(%arg9 : memref<80xi32, #tpu.memory_space<vmem>>)
        tpu.yield
      }) : () -> ()
      %dma_start3A = arith.constant 0 : i32
      %dma_start3A_24 = arith.constant 0 : i32
      %dma_start3A_25 = tpu.memref_slice %arg2[%dma_start3A, %dma_start3A_24] : memref<10000x128xf32, #tpu.memory_space<hbm>> -> memref<10000x128xf32, #tpu.memory_space<hbm>>
      tpu.enqueue_indirect_dma source(%dma_start3A_25 : memref<10000x128xf32, #tpu.memory_space<hbm>>) target(%arg10 : memref<80x128xf32, #tpu.memory_space<vmem>>) offsets(%arg8 : memref<80xi32, #tpu.memory_space<vmem>>) semaphore(%arg11 : memref<!tpu.dma_semaphore, #tpu.memory_space<semaphore_mem>>)
      %dma_wait3A = arith.constant 0 : i32
      %dma_wait3A_26 = arith.constant 0 : i32
      %dma_wait3A_27 = tpu.memref_slice %arg2[%dma_wait3A, %dma_wait3A_26] : memref<10000x128xf32, #tpu.memory_space<hbm>> -> memref<10000x128xf32, #tpu.memory_space<hbm>>
      tpu.wait_indirect_dma semaphore(%arg11 : memref<!tpu.dma_semaphore, #tpu.memory_space<semaphore_mem>>) src(%dma_wait3A_27 : memref<10000x128xf32, #tpu.memory_space<hbm>>) dst(%arg10 : memref<80x128xf32, #tpu.memory_space<vmem>>)
      "tpu.region"() ({
        %run_scoped3A = tpu.sem_alloc : memref<!tpu.dma_semaphore, #tpu.memory_space<semaphore_mem>>
        %dma_start3A_28 = arith.constant 0 : i32
        %dma_start3A_29 = arith.constant 0 : i32
        %dma_start3A_30 = tpu.memref_slice %arg7[%dma_start3A_28, %dma_start3A_29] : memref<10112x128xf32, #tpu.memory_space<vmem_shared>> -> memref<10112x128xf32, #tpu.memory_space<vmem_shared>>
        tpu.enqueue_indirect_dma source(%arg10 : memref<80x128xf32, #tpu.memory_space<vmem>>) target(%dma_start3A_30 : memref<10112x128xf32, #tpu.memory_space<vmem_shared>>) offsets(%arg9 : memref<80xi32, #tpu.memory_space<vmem>>) semaphore(%run_scoped3A : memref<!tpu.dma_semaphore, #tpu.memory_space<semaphore_mem>>) {add = true}
        %dma_wait3A_31 = arith.constant 0 : i32
        %dma_wait3A_32 = arith.constant 0 : i32
        %dma_wait3A_33 = tpu.memref_slice %arg7[%dma_wait3A_31, %dma_wait3A_32] : memref<10112x128xf32, #tpu.memory_space<vmem_shared>> -> memref<10112x128xf32, #tpu.memory_space<vmem_shared>>
        tpu.wait_indirect_dma semaphore(%run_scoped3A : memref<!tpu.dma_semaphore, #tpu.memory_space<semaphore_mem>>) src(%arg10 : memref<80x128xf32, #tpu.memory_space<vmem>>) dst(%dma_wait3A_33 : memref<10112x128xf32, #tpu.memory_space<vmem_shared>>)
        tpu.yield
      }) : () -> ()
    }
    %scan3A_11 = arith.constant 125 : i32
    %barrier3A_12 = arith.constant 0 : index
    tpu.barrier barrier_id(%barrier3A_12)
    %mul3A_13 = arith.constant 632 : i32
    %mul3A_14 = arith.muli %arg1, %mul3A_13 : i32
    %mul3A_15 = arith.constant 10112 : i32
    %mul3A_16 = arith.muli %arg0, %mul3A_15 : i32
    %mul3A_17 = arith.constant 632 : i32
    %mul3A_18 = arith.muli %arg1, %mul3A_17 : i32
    %add3A_19 = arith.addi %mul3A_16, %mul3A_18 : i32
    "tpu.region"() ({
      %run_scoped3A = tpu.sem_alloc : memref<!tpu.dma_semaphore, #tpu.memory_space<semaphore_mem>>
      %dma_start3A = arith.constant 0 : i32
      %dma_start3A_20 = tpu.memref_slice %arg6[%add3A_19, %dma_start3A] : memref<20224x128xf32, #tpu.memory_space<hbm>> -> memref<632x128xf32, #tpu.memory_space<hbm>>
      %dma_start3A_21 = arith.constant 0 : i32
      %dma_start3A_22 = tpu.memref_slice %arg7[%mul3A_14, %dma_start3A_21] : memref<10112x128xf32, #tpu.memory_space<vmem_shared>> -> memref<632x128xf32, #tpu.memory_space<vmem_shared>>
      tpu.enqueue_dma source(%dma_start3A_22 : memref<632x128xf32, #tpu.memory_space<vmem_shared>>) target(%dma_start3A_20 : memref<632x128xf32, #tpu.memory_space<hbm>>) target_semaphore(%run_scoped3A : memref<!tpu.dma_semaphore, #tpu.memory_space<semaphore_mem>>)
      %dma_wait3A = arith.constant 0 : i32
      %dma_wait3A_23 = tpu.memref_slice %arg6[%add3A_19, %dma_wait3A] : memref<20224x128xf32, #tpu.memory_space<hbm>> -> memref<632x128xf32, #tpu.memory_space<hbm>>
      %dma_wait3A_24 = arith.constant 0 : i32
      %dma_wait3A_25 = tpu.memref_slice %arg7[%mul3A_14, %dma_wait3A_24] : memref<10112x128xf32, #tpu.memory_space<vmem_shared>> -> memref<632x128xf32, #tpu.memory_space<vmem_shared>>
      tpu.wait_dma2 semaphore(%run_scoped3A : memref<!tpu.dma_semaphore, #tpu.memory_space<semaphore_mem>>) src(%dma_wait3A_25 : memref<632x128xf32, #tpu.memory_space<vmem_shared>>) dst(%dma_wait3A_23 : memref<632x128xf32, #tpu.memory_space<hbm>>)
      tpu.yield
    }) : () -> ()
    return
  }
}

#map = affine_map<(d0, d1) -> (0, 0)>
#map1 = affine_map<(d0, d1) -> (0)>
module attributes {stable_mosaic.version = 14 : i64} {
  func.func @_mp_body(%arg0: i32, %arg1: i32, %arg2: memref<10000x128xf32, #tpu.memory_space<hbm>>, %arg3: memref<320000xi32, #tpu.memory_space<hbm>>, %arg4: memref<320000xi32, #tpu.memory_space<hbm>>, %arg5: memref<10112x128xf32, #tpu.memory_space<hbm>>, %arg6: memref<20224x128xf32, #tpu.memory_space<hbm>>, %arg7: memref<10112x128xf32, #tpu.memory_space<vmem_shared>>, %arg8: memref<80xi32, #tpu.memory_space<vmem>>, %arg9: memref<80xi32, #tpu.memory_space<vmem>>, %arg10: memref<80x128xf32, #tpu.memory_space<vmem>>, %arg11: memref<!tpu.dma_semaphore, #tpu.memory_space<semaphore_mem>>) attributes {dimension_semantics = [#tpu.dimension_semantics<core_parallel>, #tpu.dimension_semantics<subcore_parallel>], iteration_bounds = array<i64: 2, 16>, scalar_prefetch = 0 : i64, scratch_operands = 5 : i64, tpu.core_type = #tpu.core_type<sc_vector_subcore>, window_params = [{transform_indices = #map}, {transform_indices = #map1}, {transform_indices = #map1}, {transform_indices = #map}, {transform_indices = #map}]} {
    %mul3A = arith.constant 632 : i32
    %mul3A_0 = arith.muli %arg1, %mul3A : i32
    %mul3A_1 = arith.constant 632 : i32
    %mul3A_2 = arith.muli %arg1, %mul3A_1 : i32
    "tpu.region"() ({
      %run_scoped3A = tpu.sem_alloc : memref<!tpu.dma_semaphore, #tpu.memory_space<semaphore_mem>>
      %dma_start3A = arith.constant 0 : i32
      %dma_start3A_20 = tpu.memref_slice %arg7[%mul3A_2, %dma_start3A] : memref<10112x128xf32, #tpu.memory_space<vmem_shared>> -> memref<632x128xf32, #tpu.memory_space<vmem_shared>>
      %dma_start3A_21 = arith.constant 0 : i32
      %dma_start3A_22 = tpu.memref_slice %arg5[%mul3A_0, %dma_start3A_21] : memref<10112x128xf32, #tpu.memory_space<hbm>> -> memref<632x128xf32, #tpu.memory_space<hbm>>
      tpu.enqueue_dma source(%dma_start3A_22 : memref<632x128xf32, #tpu.memory_space<hbm>>) target(%dma_start3A_20 : memref<632x128xf32, #tpu.memory_space<vmem_shared>>) target_semaphore(%run_scoped3A : memref<!tpu.dma_semaphore, #tpu.memory_space<semaphore_mem>>)
      %dma_wait3A = arith.constant 0 : i32
      %dma_wait3A_23 = tpu.memref_slice %arg7[%mul3A_2, %dma_wait3A] : memref<10112x128xf32, #tpu.memory_space<vmem_shared>> -> memref<632x128xf32, #tpu.memory_space<vmem_shared>>
      %dma_wait3A_24 = arith.constant 0 : i32
      %dma_wait3A_25 = tpu.memref_slice %arg5[%mul3A_0, %dma_wait3A_24] : memref<10112x128xf32, #tpu.memory_space<hbm>> -> memref<632x128xf32, #tpu.memory_space<hbm>>
      tpu.wait_dma2 semaphore(%run_scoped3A : memref<!tpu.dma_semaphore, #tpu.memory_space<semaphore_mem>>) src(%dma_wait3A_25 : memref<632x128xf32, #tpu.memory_space<hbm>>) dst(%dma_wait3A_23 : memref<632x128xf32, #tpu.memory_space<vmem_shared>>)
      tpu.yield
    }) : () -> ()
    %barrier3A = arith.constant 0 : index
    tpu.barrier barrier_id(%barrier3A)
    %mul3A_3 = arith.constant 160000 : i32
    %mul3A_4 = arith.muli %arg0, %mul3A_3 : i32
    %mul3A_5 = arith.constant 10000 : i32
    %mul3A_6 = arith.muli %arg1, %mul3A_5 : i32
    %add3A = arith.addi %mul3A_4, %mul3A_6 : i32
    %scan3A = arith.constant 0 : i32
    %scan3A_7 = arith.constant 0 : i32
    %scan3A_8 = arith.constant 125 : i32
    %scan3A_9 = arith.addi %scan3A_7, %scan3A_8 : i32
    %scan3A_10 = arith.constant 1 : i32
    scf.for %scan3A_20 = %scan3A_7 to %scan3A_9 step %scan3A_10  : i32 {
      %mul3A_21 = arith.constant 80 : i32
      %mul3A_22 = arith.muli %scan3A_20, %mul3A_21 : i32
      %add3A_23 = arith.addi %add3A, %mul3A_22 : i32
      "tpu.region"() ({
        %run_scoped3A = tpu.sem_alloc : memref<!tpu.dma_semaphore, #tpu.memory_space<semaphore_mem>>
        %dma_start3A_28 = tpu.memref_slice %arg3[%add3A_23] : memref<320000xi32, #tpu.memory_space<hbm>> -> memref<80xi32, #tpu.memory_space<hbm>>
        %dma_start3A_29 = tpu.memref_slice %arg3[%add3A_23] : memref<320000xi32, #tpu.memory_space<hbm>> -> memref<80xi32, #tpu.memory_space<hbm>>
        tpu.enqueue_dma source(%dma_start3A_29 : memref<80xi32, #tpu.memory_space<hbm>>) target(%arg8 : memref<80xi32, #tpu.memory_space<vmem>>) target_semaphore(%run_scoped3A : memref<!tpu.dma_semaphore, #tpu.memory_space<semaphore_mem>>)
        %dma_wait3A_30 = tpu.memref_slice %arg3[%add3A_23] : memref<320000xi32, #tpu.memory_space<hbm>> -> memref<80xi32, #tpu.memory_space<hbm>>
        %dma_wait3A_31 = tpu.memref_slice %arg3[%add3A_23] : memref<320000xi32, #tpu.memory_space<hbm>> -> memref<80xi32, #tpu.memory_space<hbm>>
        tpu.wait_dma2 semaphore(%run_scoped3A : memref<!tpu.dma_semaphore, #tpu.memory_space<semaphore_mem>>) src(%dma_wait3A_31 : memref<80xi32, #tpu.memory_space<hbm>>) dst(%arg8 : memref<80xi32, #tpu.memory_space<vmem>>)
        tpu.yield
      }) : () -> ()
      "tpu.region"() ({
        %run_scoped3A = tpu.sem_alloc : memref<!tpu.dma_semaphore, #tpu.memory_space<semaphore_mem>>
        %dma_start3A_28 = tpu.memref_slice %arg4[%add3A_23] : memref<320000xi32, #tpu.memory_space<hbm>> -> memref<80xi32, #tpu.memory_space<hbm>>
        %dma_start3A_29 = tpu.memref_slice %arg4[%add3A_23] : memref<320000xi32, #tpu.memory_space<hbm>> -> memref<80xi32, #tpu.memory_space<hbm>>
        tpu.enqueue_dma source(%dma_start3A_29 : memref<80xi32, #tpu.memory_space<hbm>>) target(%arg9 : memref<80xi32, #tpu.memory_space<vmem>>) target_semaphore(%run_scoped3A : memref<!tpu.dma_semaphore, #tpu.memory_space<semaphore_mem>>)
        %dma_wait3A_30 = tpu.memref_slice %arg4[%add3A_23] : memref<320000xi32, #tpu.memory_space<hbm>> -> memref<80xi32, #tpu.memory_space<hbm>>
        %dma_wait3A_31 = tpu.memref_slice %arg4[%add3A_23] : memref<320000xi32, #tpu.memory_space<hbm>> -> memref<80xi32, #tpu.memory_space<hbm>>
        tpu.wait_dma2 semaphore(%run_scoped3A : memref<!tpu.dma_semaphore, #tpu.memory_space<semaphore_mem>>) src(%dma_wait3A_31 : memref<80xi32, #tpu.memory_space<hbm>>) dst(%arg9 : memref<80xi32, #tpu.memory_space<vmem>>)
        tpu.yield
      }) : () -> ()
      %dma_start3A = arith.constant 0 : i32
      %dma_start3A_24 = arith.constant 0 : i32
      %dma_start3A_25 = tpu.memref_slice %arg2[%dma_start3A, %dma_start3A_24] : memref<10000x128xf32, #tpu.memory_space<hbm>> -> memref<10000x128xf32, #tpu.memory_space<hbm>>
      tpu.enqueue_indirect_dma source(%dma_start3A_25 : memref<10000x128xf32, #tpu.memory_space<hbm>>) target(%arg10 : memref<80x128xf32, #tpu.memory_space<vmem>>) offsets(%arg8 : memref<80xi32, #tpu.memory_space<vmem>>) semaphore(%arg11 : memref<!tpu.dma_semaphore, #tpu.memory_space<semaphore_mem>>)
      %dma_wait3A = arith.constant 0 : i32
      %dma_wait3A_26 = arith.constant 0 : i32
      %dma_wait3A_27 = tpu.memref_slice %arg2[%dma_wait3A, %dma_wait3A_26] : memref<10000x128xf32, #tpu.memory_space<hbm>> -> memref<10000x128xf32, #tpu.memory_space<hbm>>
      tpu.wait_indirect_dma semaphore(%arg11 : memref<!tpu.dma_semaphore, #tpu.memory_space<semaphore_mem>>) src(%dma_wait3A_27 : memref<10000x128xf32, #tpu.memory_space<hbm>>) dst(%arg10 : memref<80x128xf32, #tpu.memory_space<vmem>>)
      "tpu.region"() ({
        %run_scoped3A = tpu.sem_alloc : memref<!tpu.dma_semaphore, #tpu.memory_space<semaphore_mem>>
        %dma_start3A_28 = arith.constant 0 : i32
        %dma_start3A_29 = arith.constant 0 : i32
        %dma_start3A_30 = tpu.memref_slice %arg7[%dma_start3A_28, %dma_start3A_29] : memref<10112x128xf32, #tpu.memory_space<vmem_shared>> -> memref<10112x128xf32, #tpu.memory_space<vmem_shared>>
        tpu.enqueue_indirect_dma source(%arg10 : memref<80x128xf32, #tpu.memory_space<vmem>>) target(%dma_start3A_30 : memref<10112x128xf32, #tpu.memory_space<vmem_shared>>) offsets(%arg9 : memref<80xi32, #tpu.memory_space<vmem>>) semaphore(%run_scoped3A : memref<!tpu.dma_semaphore, #tpu.memory_space<semaphore_mem>>) {add = true}
        %dma_wait3A_31 = arith.constant 0 : i32
        %dma_wait3A_32 = arith.constant 0 : i32
        %dma_wait3A_33 = tpu.memref_slice %arg7[%dma_wait3A_31, %dma_wait3A_32] : memref<10112x128xf32, #tpu.memory_space<vmem_shared>> -> memref<10112x128xf32, #tpu.memory_space<vmem_shared>>
        tpu.wait_indirect_dma semaphore(%run_scoped3A : memref<!tpu.dma_semaphore, #tpu.memory_space<semaphore_mem>>) src(%arg10 : memref<80x128xf32, #tpu.memory_space<vmem>>) dst(%dma_wait3A_33 : memref<10112x128xf32, #tpu.memory_space<vmem_shared>>)
        tpu.yield
      }) : () -> ()
    }
    %scan3A_11 = arith.constant 125 : i32
    %barrier3A_12 = arith.constant 0 : index
    tpu.barrier barrier_id(%barrier3A_12)
    %mul3A_13 = arith.constant 632 : i32
    %mul3A_14 = arith.muli %arg1, %mul3A_13 : i32
    %mul3A_15 = arith.constant 10112 : i32
    %mul3A_16 = arith.muli %arg0, %mul3A_15 : i32
    %mul3A_17 = arith.constant 632 : i32
    %mul3A_18 = arith.muli %arg1, %mul3A_17 : i32
    %add3A_19 = arith.addi %mul3A_16, %mul3A_18 : i32
    "tpu.region"() ({
      %run_scoped3A = tpu.sem_alloc : memref<!tpu.dma_semaphore, #tpu.memory_space<semaphore_mem>>
      %dma_start3A = arith.constant 0 : i32
      %dma_start3A_20 = tpu.memref_slice %arg6[%add3A_19, %dma_start3A] : memref<20224x128xf32, #tpu.memory_space<hbm>> -> memref<632x128xf32, #tpu.memory_space<hbm>>
      %dma_start3A_21 = arith.constant 0 : i32
      %dma_start3A_22 = tpu.memref_slice %arg7[%mul3A_14, %dma_start3A_21] : memref<10112x128xf32, #tpu.memory_space<vmem_shared>> -> memref<632x128xf32, #tpu.memory_space<vmem_shared>>
      tpu.enqueue_dma source(%dma_start3A_22 : memref<632x128xf32, #tpu.memory_space<vmem_shared>>) target(%dma_start3A_20 : memref<632x128xf32, #tpu.memory_space<hbm>>) target_semaphore(%run_scoped3A : memref<!tpu.dma_semaphore, #tpu.memory_space<semaphore_mem>>)
      %dma_wait3A = arith.constant 0 : i32
      %dma_wait3A_23 = tpu.memref_slice %arg6[%add3A_19, %dma_wait3A] : memref<20224x128xf32, #tpu.memory_space<hbm>> -> memref<632x128xf32, #tpu.memory_space<hbm>>
      %dma_wait3A_24 = arith.constant 0 : i32
      %dma_wait3A_25 = tpu.memref_slice %arg7[%mul3A_14, %dma_wait3A_24] : memref<10112x128xf32, #tpu.memory_space<vmem_shared>> -> memref<632x128xf32, #tpu.memory_space<vmem_shared>>
      tpu.wait_dma2 semaphore(%run_scoped3A : memref<!tpu.dma_semaphore, #tpu.memory_space<semaphore_mem>>) src(%dma_wait3A_25 : memref<632x128xf32, #tpu.memory_space<vmem_shared>>) dst(%dma_wait3A_23 : memref<632x128xf32, #tpu.memory_space<hbm>>)
      tpu.yield
    }) : () -> ()
    return
  }
}

#map = affine_map<(d0, d1) -> (0, 0)>
#map1 = affine_map<(d0, d1) -> (0)>
module attributes {stable_mosaic.version = 14 : i64} {
  func.func @_mp_body(%arg0: i32, %arg1: i32, %arg2: memref<10000x128xf32, #tpu.memory_space<hbm>>, %arg3: memref<320000xi32, #tpu.memory_space<hbm>>, %arg4: memref<320000xi32, #tpu.memory_space<hbm>>, %arg5: memref<10112x128xf32, #tpu.memory_space<hbm>>, %arg6: memref<20224x128xf32, #tpu.memory_space<hbm>>, %arg7: memref<10112x128xf32, #tpu.memory_space<vmem_shared>>, %arg8: memref<80xi32, #tpu.memory_space<vmem>>, %arg9: memref<80xi32, #tpu.memory_space<vmem>>, %arg10: memref<80x128xf32, #tpu.memory_space<vmem>>, %arg11: memref<!tpu.dma_semaphore, #tpu.memory_space<semaphore_mem>>) attributes {dimension_semantics = [#tpu.dimension_semantics<core_parallel>, #tpu.dimension_semantics<subcore_parallel>], iteration_bounds = array<i64: 2, 16>, scalar_prefetch = 0 : i64, scratch_operands = 5 : i64, tpu.core_type = #tpu.core_type<sc_vector_subcore>, window_params = [{transform_indices = #map}, {transform_indices = #map1}, {transform_indices = #map1}, {transform_indices = #map}, {transform_indices = #map}]} {
    %mul3A = arith.constant 632 : i32
    %mul3A_0 = arith.muli %arg1, %mul3A : i32
    %mul3A_1 = arith.constant 632 : i32
    %mul3A_2 = arith.muli %arg1, %mul3A_1 : i32
    "tpu.region"() ({
      %run_scoped3A = tpu.sem_alloc : memref<!tpu.dma_semaphore, #tpu.memory_space<semaphore_mem>>
      %dma_start3A = arith.constant 0 : i32
      %dma_start3A_20 = tpu.memref_slice %arg7[%mul3A_2, %dma_start3A] : memref<10112x128xf32, #tpu.memory_space<vmem_shared>> -> memref<632x128xf32, #tpu.memory_space<vmem_shared>>
      %dma_start3A_21 = arith.constant 0 : i32
      %dma_start3A_22 = tpu.memref_slice %arg5[%mul3A_0, %dma_start3A_21] : memref<10112x128xf32, #tpu.memory_space<hbm>> -> memref<632x128xf32, #tpu.memory_space<hbm>>
      tpu.enqueue_dma source(%dma_start3A_22 : memref<632x128xf32, #tpu.memory_space<hbm>>) target(%dma_start3A_20 : memref<632x128xf32, #tpu.memory_space<vmem_shared>>) target_semaphore(%run_scoped3A : memref<!tpu.dma_semaphore, #tpu.memory_space<semaphore_mem>>)
      %dma_wait3A = arith.constant 0 : i32
      %dma_wait3A_23 = tpu.memref_slice %arg7[%mul3A_2, %dma_wait3A] : memref<10112x128xf32, #tpu.memory_space<vmem_shared>> -> memref<632x128xf32, #tpu.memory_space<vmem_shared>>
      %dma_wait3A_24 = arith.constant 0 : i32
      %dma_wait3A_25 = tpu.memref_slice %arg5[%mul3A_0, %dma_wait3A_24] : memref<10112x128xf32, #tpu.memory_space<hbm>> -> memref<632x128xf32, #tpu.memory_space<hbm>>
      tpu.wait_dma2 semaphore(%run_scoped3A : memref<!tpu.dma_semaphore, #tpu.memory_space<semaphore_mem>>) src(%dma_wait3A_25 : memref<632x128xf32, #tpu.memory_space<hbm>>) dst(%dma_wait3A_23 : memref<632x128xf32, #tpu.memory_space<vmem_shared>>)
      tpu.yield
    }) : () -> ()
    %barrier3A = arith.constant 0 : index
    tpu.barrier barrier_id(%barrier3A)
    %mul3A_3 = arith.constant 160000 : i32
    %mul3A_4 = arith.muli %arg0, %mul3A_3 : i32
    %mul3A_5 = arith.constant 10000 : i32
    %mul3A_6 = arith.muli %arg1, %mul3A_5 : i32
    %add3A = arith.addi %mul3A_4, %mul3A_6 : i32
    %scan3A = arith.constant 0 : i32
    %scan3A_7 = arith.constant 0 : i32
    %scan3A_8 = arith.constant 125 : i32
    %scan3A_9 = arith.addi %scan3A_7, %scan3A_8 : i32
    %scan3A_10 = arith.constant 1 : i32
    scf.for %scan3A_20 = %scan3A_7 to %scan3A_9 step %scan3A_10  : i32 {
      %mul3A_21 = arith.constant 80 : i32
      %mul3A_22 = arith.muli %scan3A_20, %mul3A_21 : i32
      %add3A_23 = arith.addi %add3A, %mul3A_22 : i32
      "tpu.region"() ({
        %run_scoped3A = tpu.sem_alloc : memref<!tpu.dma_semaphore, #tpu.memory_space<semaphore_mem>>
        %dma_start3A_28 = tpu.memref_slice %arg3[%add3A_23] : memref<320000xi32, #tpu.memory_space<hbm>> -> memref<80xi32, #tpu.memory_space<hbm>>
        %dma_start3A_29 = tpu.memref_slice %arg3[%add3A_23] : memref<320000xi32, #tpu.memory_space<hbm>> -> memref<80xi32, #tpu.memory_space<hbm>>
        tpu.enqueue_dma source(%dma_start3A_29 : memref<80xi32, #tpu.memory_space<hbm>>) target(%arg8 : memref<80xi32, #tpu.memory_space<vmem>>) target_semaphore(%run_scoped3A : memref<!tpu.dma_semaphore, #tpu.memory_space<semaphore_mem>>)
        %dma_wait3A_30 = tpu.memref_slice %arg3[%add3A_23] : memref<320000xi32, #tpu.memory_space<hbm>> -> memref<80xi32, #tpu.memory_space<hbm>>
        %dma_wait3A_31 = tpu.memref_slice %arg3[%add3A_23] : memref<320000xi32, #tpu.memory_space<hbm>> -> memref<80xi32, #tpu.memory_space<hbm>>
        tpu.wait_dma2 semaphore(%run_scoped3A : memref<!tpu.dma_semaphore, #tpu.memory_space<semaphore_mem>>) src(%dma_wait3A_31 : memref<80xi32, #tpu.memory_space<hbm>>) dst(%arg8 : memref<80xi32, #tpu.memory_space<vmem>>)
        tpu.yield
      }) : () -> ()
      "tpu.region"() ({
        %run_scoped3A = tpu.sem_alloc : memref<!tpu.dma_semaphore, #tpu.memory_space<semaphore_mem>>
        %dma_start3A_28 = tpu.memref_slice %arg4[%add3A_23] : memref<320000xi32, #tpu.memory_space<hbm>> -> memref<80xi32, #tpu.memory_space<hbm>>
        %dma_start3A_29 = tpu.memref_slice %arg4[%add3A_23] : memref<320000xi32, #tpu.memory_space<hbm>> -> memref<80xi32, #tpu.memory_space<hbm>>
        tpu.enqueue_dma source(%dma_start3A_29 : memref<80xi32, #tpu.memory_space<hbm>>) target(%arg9 : memref<80xi32, #tpu.memory_space<vmem>>) target_semaphore(%run_scoped3A : memref<!tpu.dma_semaphore, #tpu.memory_space<semaphore_mem>>)
        %dma_wait3A_30 = tpu.memref_slice %arg4[%add3A_23] : memref<320000xi32, #tpu.memory_space<hbm>> -> memref<80xi32, #tpu.memory_space<hbm>>
        %dma_wait3A_31 = tpu.memref_slice %arg4[%add3A_23] : memref<320000xi32, #tpu.memory_space<hbm>> -> memref<80xi32, #tpu.memory_space<hbm>>
        tpu.wait_dma2 semaphore(%run_scoped3A : memref<!tpu.dma_semaphore, #tpu.memory_space<semaphore_mem>>) src(%dma_wait3A_31 : memref<80xi32, #tpu.memory_space<hbm>>) dst(%arg9 : memref<80xi32, #tpu.memory_space<vmem>>)
        tpu.yield
      }) : () -> ()
      %dma_start3A = arith.constant 0 : i32
      %dma_start3A_24 = arith.constant 0 : i32
      %dma_start3A_25 = tpu.memref_slice %arg2[%dma_start3A, %dma_start3A_24] : memref<10000x128xf32, #tpu.memory_space<hbm>> -> memref<10000x128xf32, #tpu.memory_space<hbm>>
      tpu.enqueue_indirect_dma source(%dma_start3A_25 : memref<10000x128xf32, #tpu.memory_space<hbm>>) target(%arg10 : memref<80x128xf32, #tpu.memory_space<vmem>>) offsets(%arg8 : memref<80xi32, #tpu.memory_space<vmem>>) semaphore(%arg11 : memref<!tpu.dma_semaphore, #tpu.memory_space<semaphore_mem>>)
      %dma_wait3A = arith.constant 0 : i32
      %dma_wait3A_26 = arith.constant 0 : i32
      %dma_wait3A_27 = tpu.memref_slice %arg2[%dma_wait3A, %dma_wait3A_26] : memref<10000x128xf32, #tpu.memory_space<hbm>> -> memref<10000x128xf32, #tpu.memory_space<hbm>>
      tpu.wait_indirect_dma semaphore(%arg11 : memref<!tpu.dma_semaphore, #tpu.memory_space<semaphore_mem>>) src(%dma_wait3A_27 : memref<10000x128xf32, #tpu.memory_space<hbm>>) dst(%arg10 : memref<80x128xf32, #tpu.memory_space<vmem>>)
      "tpu.region"() ({
        %run_scoped3A = tpu.sem_alloc : memref<!tpu.dma_semaphore, #tpu.memory_space<semaphore_mem>>
        %dma_start3A_28 = arith.constant 0 : i32
        %dma_start3A_29 = arith.constant 0 : i32
        %dma_start3A_30 = tpu.memref_slice %arg7[%dma_start3A_28, %dma_start3A_29] : memref<10112x128xf32, #tpu.memory_space<vmem_shared>> -> memref<10112x128xf32, #tpu.memory_space<vmem_shared>>
        tpu.enqueue_indirect_dma source(%arg10 : memref<80x128xf32, #tpu.memory_space<vmem>>) target(%dma_start3A_30 : memref<10112x128xf32, #tpu.memory_space<vmem_shared>>) offsets(%arg9 : memref<80xi32, #tpu.memory_space<vmem>>) semaphore(%run_scoped3A : memref<!tpu.dma_semaphore, #tpu.memory_space<semaphore_mem>>) {add = true}
        %dma_wait3A_31 = arith.constant 0 : i32
        %dma_wait3A_32 = arith.constant 0 : i32
        %dma_wait3A_33 = tpu.memref_slice %arg7[%dma_wait3A_31, %dma_wait3A_32] : memref<10112x128xf32, #tpu.memory_space<vmem_shared>> -> memref<10112x128xf32, #tpu.memory_space<vmem_shared>>
        tpu.wait_indirect_dma semaphore(%run_scoped3A : memref<!tpu.dma_semaphore, #tpu.memory_space<semaphore_mem>>) src(%arg10 : memref<80x128xf32, #tpu.memory_space<vmem>>) dst(%dma_wait3A_33 : memref<10112x128xf32, #tpu.memory_space<vmem_shared>>)
        tpu.yield
      }) : () -> ()
    }
    %scan3A_11 = arith.constant 125 : i32
    %barrier3A_12 = arith.constant 0 : index
    tpu.barrier barrier_id(%barrier3A_12)
    %mul3A_13 = arith.constant 632 : i32
    %mul3A_14 = arith.muli %arg1, %mul3A_13 : i32
    %mul3A_15 = arith.constant 10112 : i32
    %mul3A_16 = arith.muli %arg0, %mul3A_15 : i32
    %mul3A_17 = arith.constant 632 : i32
    %mul3A_18 = arith.muli %arg1, %mul3A_17 : i32
    %add3A_19 = arith.addi %mul3A_16, %mul3A_18 : i32
    "tpu.region"() ({
      %run_scoped3A = tpu.sem_alloc : memref<!tpu.dma_semaphore, #tpu.memory_space<semaphore_mem>>
      %dma_start3A = arith.constant 0 : i32
      %dma_start3A_20 = tpu.memref_slice %arg6[%add3A_19, %dma_start3A] : memref<20224x128xf32, #tpu.memory_space<hbm>> -> memref<632x128xf32, #tpu.memory_space<hbm>>
      %dma_start3A_21 = arith.constant 0 : i32
      %dma_start3A_22 = tpu.memref_slice %arg7[%mul3A_14, %dma_start3A_21] : memref<10112x128xf32, #tpu.memory_space<vmem_shared>> -> memref<632x128xf32, #tpu.memory_space<vmem_shared>>
      tpu.enqueue_dma source(%dma_start3A_22 : memref<632x128xf32, #tpu.memory_space<vmem_shared>>) target(%dma_start3A_20 : memref<632x128xf32, #tpu.memory_space<hbm>>) target_semaphore(%run_scoped3A : memref<!tpu.dma_semaphore, #tpu.memory_space<semaphore_mem>>)
      %dma_wait3A = arith.constant 0 : i32
      %dma_wait3A_23 = tpu.memref_slice %arg6[%add3A_19, %dma_wait3A] : memref<20224x128xf32, #tpu.memory_space<hbm>> -> memref<632x128xf32, #tpu.memory_space<hbm>>
      %dma_wait3A_24 = arith.constant 0 : i32
      %dma_wait3A_25 = tpu.memref_slice %arg7[%mul3A_14, %dma_wait3A_24] : memref<10112x128xf32, #tpu.memory_space<vmem_shared>> -> memref<632x128xf32, #tpu.memory_space<vmem_shared>>
      tpu.wait_dma2 semaphore(%run_scoped3A : memref<!tpu.dma_semaphore, #tpu.memory_space<semaphore_mem>>) src(%dma_wait3A_25 : memref<632x128xf32, #tpu.memory_space<vmem_shared>>) dst(%dma_wait3A_23 : memref<632x128xf32, #tpu.memory_space<hbm>>)
      tpu.yield
    }) : () -> ()
    return
  }
}

module attributes {stable_mosaic.version = 14 : i64} {
  func.func @_t0_body(%arg0: memref<10000x1xi32, #tpu.memory_space<vmem>>, %arg1: memref<2x128xf32, #tpu.memory_space<vmem>>, %arg2: memref<128x128xf32, #tpu.memory_space<vmem>>, %arg3: memref<1x128xf32, #tpu.memory_space<vmem>>, %arg4: memref<10000x128xf32, #tpu.memory_space<vmem>>) attributes {dimension_semantics = [], scalar_prefetch = 0 : i64, scratch_operands = 0 : i64, tpu.core_type = #tpu.core_type<tc>} {
    %get3A = arith.constant 0 : index
    %get3A_0 = arith.constant 0 : index
    %get3A_1 = vector.load %arg0[%get3A, %get3A_0] : memref<10000x1xi32, #tpu.memory_space<vmem>>, vector<10000x1xi32>
    %get3A_2 = arith.constant 0 : index
    %get3A_3 = arith.constant 0 : index
    %get3A_4 = vector.load %arg1[%get3A_2, %get3A_3] : memref<2x128xf32, #tpu.memory_space<vmem>>, vector<1x128xf32>
    %get3A_5 = arith.constant 1 : index
    %get3A_6 = arith.constant 0 : index
    %get3A_7 = vector.load %arg1[%get3A_5, %get3A_6] : memref<2x128xf32, #tpu.memory_space<vmem>>, vector<1x128xf32>
    %eq3A = arith.constant 0 : i32
    %eq3A_8 = vector.broadcast %eq3A : i32 to vector<10000x1xi32>
    %eq3A_9 = arith.cmpi eq, %get3A_1, %eq3A_8 : vector<10000x1xi32>
    %broadcast_in_dim3A = vector.shape_cast %eq3A_9 : vector<10000x1xi1> to vector<10000x1xi1>
    %broadcast_in_dim3A_10 = vector.broadcast %broadcast_in_dim3A : vector<10000x1xi1> to vector<10000x128xi1>
    %broadcast_in_dim3A_11 = vector.shape_cast %get3A_4 : vector<1x128xf32> to vector<1x128xf32>
    %broadcast_in_dim3A_12 = vector.broadcast %broadcast_in_dim3A_11 : vector<1x128xf32> to vector<10000x128xf32>
    %broadcast_in_dim3A_13 = vector.shape_cast %get3A_7 : vector<1x128xf32> to vector<1x128xf32>
    %broadcast_in_dim3A_14 = vector.broadcast %broadcast_in_dim3A_13 : vector<1x128xf32> to vector<10000x128xf32>
    %select_n3A = arith.select %broadcast_in_dim3A_10, %broadcast_in_dim3A_12, %broadcast_in_dim3A_14 : vector<10000x128xi1>, vector<10000x128xf32>
    %get3A_15 = arith.constant 0 : index
    %get3A_16 = arith.constant 0 : index
    %get3A_17 = vector.load %arg2[%get3A_15, %get3A_16] : memref<128x128xf32, #tpu.memory_space<vmem>>, vector<128x128xf32>
    %dot_general3A = arith.constant dense<0.000000e+00> : vector<10000x128xf32>
    %dot_general3A_18 = tpu.matmul %select_n3A, %get3A_17, %dot_general3A {dimension_numbers = #tpu.dot_dimension_numbers<[1], [0], [0], [1], [0, 0, 1, 1], [], []>, transpose_lhs_hint = false} : vector<10000x128xf32>, vector<128x128xf32>, vector<10000x128xf32> -> vector<10000x128xf32>
    %get3A_19 = arith.constant 0 : index
    %get3A_20 = arith.constant 0 : index
    %get3A_21 = vector.load %arg3[%get3A_19, %get3A_20] : memref<1x128xf32, #tpu.memory_space<vmem>>, vector<1x128xf32>
    %add3A = vector.broadcast %get3A_21 : vector<1x128xf32> to vector<10000x128xf32>
    %add3A_22 = arith.addf %dot_general3A_18, %add3A : vector<10000x128xf32>
    %logistic3A = arith.negf %add3A_22 : vector<10000x128xf32>
    %logistic3A_23 = math.exp %logistic3A : vector<10000x128xf32>
    %logistic3A_24 = arith.constant 1.000000e+00 : f32
    %logistic3A_25 = vector.broadcast %logistic3A_24 : f32 to vector<10000x128xf32>
    %logistic3A_26 = arith.addf %logistic3A_25, %logistic3A_23 : vector<10000x128xf32>
    %logistic3A_27 = arith.divf %logistic3A_25, %logistic3A_26 : vector<10000x128xf32>
    %mul3A = arith.mulf %add3A_22, %logistic3A_27 : vector<10000x128xf32>
    %swap3A = arith.constant 0 : index
    %swap3A_28 = arith.constant 0 : index
    %swap3A_29 = vector.load %arg4[%swap3A, %swap3A_28] : memref<10000x128xf32, #tpu.memory_space<vmem>>, vector<10000x128xf32>
    tpu.vector_store %arg4[%swap3A, %swap3A_28], %mul3A {strides = array<i32>} : memref<10000x128xf32, #tpu.memory_space<vmem>>, vector<10000x128xf32>,
    return
  }
}

module attributes {stable_mosaic.version = 14 : i64} {
  func.func @_tmid_body(%arg0: memref<10000x128xf32, #tpu.memory_space<vmem>>, %arg1: memref<20224x128xf32, #tpu.memory_space<vmem>>, %arg2: memref<128x128xf32, #tpu.memory_space<vmem>>, %arg3: memref<1x128xf32, #tpu.memory_space<vmem>>, %arg4: memref<128x1xf32, #tpu.memory_space<vmem>>, %arg5: memref<10000x128xf32, #tpu.memory_space<vmem>>, %arg6: memref<10000x1xf32, #tpu.memory_space<vmem>>, %arg7: memref<1x128xf32, #tpu.memory_space<vmem>>) attributes {dimension_semantics = [], scalar_prefetch = 0 : i64, scratch_operands = 0 : i64, tpu.core_type = #tpu.core_type<tc>} {
    %get3A = arith.constant 0 : index
    %get3A_0 = arith.constant 0 : index
    %get3A_1 = vector.load %arg0[%get3A, %get3A_0] : memref<10000x128xf32, #tpu.memory_space<vmem>>, vector<10000x128xf32>
    %get3A_2 = arith.constant 0 : index
    %get3A_3 = arith.constant 0 : index
    %get3A_4 = vector.load %arg1[%get3A_2, %get3A_3] : memref<20224x128xf32, #tpu.memory_space<vmem>>, vector<10000x128xf32>
    %add3A = arith.addf %get3A_1, %get3A_4 : vector<10000x128xf32>
    %get3A_5 = arith.constant 10112 : index
    %get3A_6 = arith.constant 0 : index
    %get3A_7 = vector.load %arg1[%get3A_5, %get3A_6] : memref<20224x128xf32, #tpu.memory_space<vmem>>, vector<10000x128xf32>
    %add3A_8 = arith.addf %add3A, %get3A_7 : vector<10000x128xf32>
    %get3A_9 = arith.constant 0 : index
    %get3A_10 = arith.constant 0 : index
    %get3A_11 = vector.load %arg2[%get3A_9, %get3A_10] : memref<128x128xf32, #tpu.memory_space<vmem>>, vector<128x128xf32>
    %dot_general3A = arith.constant dense<0.000000e+00> : vector<10000x128xf32>
    %dot_general3A_12 = tpu.matmul %add3A_8, %get3A_11, %dot_general3A {dimension_numbers = #tpu.dot_dimension_numbers<[1], [0], [0], [1], [0, 0, 1, 1], [], []>, transpose_lhs_hint = false} : vector<10000x128xf32>, vector<128x128xf32>, vector<10000x128xf32> -> vector<10000x128xf32>
    %get3A_13 = arith.constant 0 : index
    %get3A_14 = arith.constant 0 : index
    %get3A_15 = vector.load %arg3[%get3A_13, %get3A_14] : memref<1x128xf32, #tpu.memory_space<vmem>>, vector<1x128xf32>
    %add3A_16 = vector.broadcast %get3A_15 : vector<1x128xf32> to vector<10000x128xf32>
    %add3A_17 = arith.addf %dot_general3A_12, %add3A_16 : vector<10000x128xf32>
    %logistic3A = arith.negf %add3A_17 : vector<10000x128xf32>
    %logistic3A_18 = math.exp %logistic3A : vector<10000x128xf32>
    %logistic3A_19 = arith.constant 1.000000e+00 : f32
    %logistic3A_20 = vector.broadcast %logistic3A_19 : f32 to vector<10000x128xf32>
    %logistic3A_21 = arith.addf %logistic3A_20, %logistic3A_18 : vector<10000x128xf32>
    %logistic3A_22 = arith.divf %logistic3A_20, %logistic3A_21 : vector<10000x128xf32>
    %mul3A = arith.mulf %add3A_17, %logistic3A_22 : vector<10000x128xf32>
    %swap3A = arith.constant 0 : index
    %swap3A_23 = arith.constant 0 : index
    %swap3A_24 = vector.load %arg5[%swap3A, %swap3A_23] : memref<10000x128xf32, #tpu.memory_space<vmem>>, vector<10000x128xf32>
    tpu.vector_store %arg5[%swap3A, %swap3A_23], %mul3A {strides = array<i32>} : memref<10000x128xf32, #tpu.memory_space<vmem>>, vector<10000x128xf32>,
    %get3A_25 = arith.constant 0 : index
    %get3A_26 = arith.constant 0 : index
    %get3A_27 = vector.load %arg4[%get3A_25, %get3A_26] : memref<128x1xf32, #tpu.memory_space<vmem>>, vector<128x1xf32>
    %dot_general3A_28 = arith.constant dense<0.000000e+00> : vector<10000x1xf32>
    %dot_general3A_29 = tpu.matmul %add3A_8, %get3A_27, %dot_general3A_28 {dimension_numbers = #tpu.dot_dimension_numbers<[1], [0], [0], [1], [0, 0, 1, 1], [], []>, transpose_lhs_hint = false} : vector<10000x128xf32>, vector<128x1xf32>, vector<10000x1xf32> -> vector<10000x1xf32>
    %swap3A_30 = arith.constant 0 : index
    %swap3A_31 = arith.constant 0 : index
    %swap3A_32 = vector.load %arg6[%swap3A_30, %swap3A_31] : memref<10000x1xf32, #tpu.memory_space<vmem>>, vector<10000x1xf32>
    tpu.vector_store %arg6[%swap3A_30, %swap3A_31], %dot_general3A_29 {strides = array<i32>} : memref<10000x1xf32, #tpu.memory_space<vmem>>, vector<10000x1xf32>,
    %reduce_sum3A = arith.constant dense<0.000000e+00> : vector<128xf32>
    %reduce_sum3A_33 = vector.multi_reduction <add>, %add3A_8, %reduce_sum3A [0] : vector<10000x128xf32> to vector<128xf32>
    %broadcast_in_dim3A = vector.shape_cast %reduce_sum3A_33 : vector<128xf32> to vector<1x128xf32>
    %swap3A_34 = arith.constant 0 : index
    %swap3A_35 = arith.constant 0 : index
    %swap3A_36 = vector.load %arg7[%swap3A_34, %swap3A_35] : memref<1x128xf32, #tpu.memory_space<vmem>>, vector<1x128xf32>
    tpu.vector_store %arg7[%swap3A_34, %swap3A_35], %broadcast_in_dim3A {strides = array<i32>} : memref<1x128xf32, #tpu.memory_space<vmem>>, vector<1x128xf32>,
    return
  }
}

module attributes {stable_mosaic.version = 14 : i64} {
  func.func @_t3_body(%arg0: memref<10000x128xf32, #tpu.memory_space<vmem>>, %arg1: memref<20224x128xf32, #tpu.memory_space<vmem>>, %arg2: memref<10000x1xf32, #tpu.memory_space<vmem>>, %arg3: memref<10000x1xf32, #tpu.memory_space<vmem>>, %arg4: memref<128x1xf32, #tpu.memory_space<vmem>>, %arg5: memref<1x1xf32, #tpu.memory_space<vmem>>, %arg6: memref<1x128xf32, #tpu.memory_space<vmem>>, %arg7: memref<1x128xf32, #tpu.memory_space<vmem>>, %arg8: memref<384x1xf32, #tpu.memory_space<vmem>>, %arg9: memref<1x1xf32, #tpu.memory_space<vmem>>, %arg10: memref<10000x1xf32, #tpu.memory_space<vmem>>, %arg11: memref<1x1xf32, #tpu.memory_space<vmem>>) attributes {dimension_semantics = [], scalar_prefetch = 0 : i64, scratch_operands = 0 : i64, tpu.core_type = #tpu.core_type<tc>} {
    %get3A = arith.constant 0 : index
    %get3A_0 = arith.constant 0 : index
    %get3A_1 = vector.load %arg0[%get3A, %get3A_0] : memref<10000x128xf32, #tpu.memory_space<vmem>>, vector<10000x128xf32>
    %get3A_2 = arith.constant 0 : index
    %get3A_3 = arith.constant 0 : index
    %get3A_4 = vector.load %arg1[%get3A_2, %get3A_3] : memref<20224x128xf32, #tpu.memory_space<vmem>>, vector<10000x128xf32>
    %add3A = arith.addf %get3A_1, %get3A_4 : vector<10000x128xf32>
    %get3A_5 = arith.constant 10112 : index
    %get3A_6 = arith.constant 0 : index
    %get3A_7 = vector.load %arg1[%get3A_5, %get3A_6] : memref<20224x128xf32, #tpu.memory_space<vmem>>, vector<10000x128xf32>
    %add3A_8 = arith.addf %add3A, %get3A_7 : vector<10000x128xf32>
    %get3A_9 = arith.constant 0 : index
    %get3A_10 = arith.constant 0 : index
    %get3A_11 = vector.load %arg4[%get3A_9, %get3A_10] : memref<128x1xf32, #tpu.memory_space<vmem>>, vector<128x1xf32>
    %dot_general3A = arith.constant dense<0.000000e+00> : vector<10000x1xf32>
    %dot_general3A_12 = tpu.matmul %add3A_8, %get3A_11, %dot_general3A {dimension_numbers = #tpu.dot_dimension_numbers<[1], [0], [0], [1], [0, 0, 1, 1], [], []>, transpose_lhs_hint = false} : vector<10000x128xf32>, vector<128x1xf32>, vector<10000x1xf32> -> vector<10000x1xf32>
    %get3A_13 = arith.constant 0 : index
    %get3A_14 = arith.constant 0 : index
    %get3A_15 = vector.load %arg2[%get3A_13, %get3A_14] : memref<10000x1xf32, #tpu.memory_space<vmem>>, vector<10000x1xf32>
    %get3A_16 = arith.constant 0 : index
    %get3A_17 = arith.constant 0 : index
    %get3A_18 = vector.load %arg3[%get3A_16, %get3A_17] : memref<10000x1xf32, #tpu.memory_space<vmem>>, vector<10000x1xf32>
    %add3A_19 = arith.addf %get3A_15, %get3A_18 : vector<10000x1xf32>
    %add3A_20 = arith.addf %add3A_19, %dot_general3A_12 : vector<10000x1xf32>
    %get3A_21 = arith.constant 0 : index
    %get3A_22 = arith.constant 0 : index
    %get3A_23 = vector.load %arg5[%get3A_21, %get3A_22] : memref<1x1xf32, #tpu.memory_space<vmem>>, vector<1x1xf32>
    %get3A_24 = vector.extract %get3A_23[0, 0] : f32 from vector<1x1xf32>
    %add3A_25 = vector.broadcast %get3A_24 : f32 to vector<10000x1xf32>
    %add3A_26 = arith.addf %add3A_20, %add3A_25 : vector<10000x1xf32>
    %logistic3A = arith.negf %add3A_26 : vector<10000x1xf32>
    %logistic3A_27 = math.exp %logistic3A : vector<10000x1xf32>
    %logistic3A_28 = arith.constant 1.000000e+00 : f32
    %logistic3A_29 = vector.broadcast %logistic3A_28 : f32 to vector<10000x1xf32>
    %logistic3A_30 = arith.addf %logistic3A_29, %logistic3A_27 : vector<10000x1xf32>
    %logistic3A_31 = arith.divf %logistic3A_29, %logistic3A_30 : vector<10000x1xf32>
    %mul3A = arith.mulf %add3A_26, %logistic3A_31 : vector<10000x1xf32>
    %swap3A = arith.constant 0 : index
    %swap3A_32 = arith.constant 0 : index
    %swap3A_33 = vector.load %arg10[%swap3A, %swap3A_32] : memref<10000x1xf32, #tpu.memory_space<vmem>>, vector<10000x1xf32>
    tpu.vector_store %arg10[%swap3A, %swap3A_32], %mul3A {strides = array<i32>} : memref<10000x1xf32, #tpu.memory_space<vmem>>, vector<10000x1xf32>,
    %reduce_sum3A = arith.constant dense<0.000000e+00> : vector<128xf32>
    %reduce_sum3A_34 = vector.multi_reduction <add>, %add3A_8, %reduce_sum3A [0] : vector<10000x128xf32> to vector<128xf32>
    %broadcast_in_dim3A = vector.shape_cast %reduce_sum3A_34 : vector<128xf32> to vector<1x128xf32>
    %get3A_35 = arith.constant 0 : index
    %get3A_36 = arith.constant 0 : index
    %get3A_37 = vector.load %arg6[%get3A_35, %get3A_36] : memref<1x128xf32, #tpu.memory_space<vmem>>, vector<1x128xf32>
    %get3A_38 = arith.constant 0 : index
    %get3A_39 = arith.constant 0 : index
    %get3A_40 = vector.load %arg8[%get3A_38, %get3A_39] : memref<384x1xf32, #tpu.memory_space<vmem>>, vector<128x1xf32>
    %dot_general3A_41 = arith.constant dense<0.000000e+00> : vector<1x1xf32>
    %dot_general3A_42 = tpu.matmul %get3A_37, %get3A_40, %dot_general3A_41 {dimension_numbers = #tpu.dot_dimension_numbers<[1], [0], [0], [1], [0, 0, 1, 1], [], []>, transpose_lhs_hint = false} : vector<1x128xf32>, vector<128x1xf32>, vector<1x1xf32> -> vector<1x1xf32>
    %get3A_43 = arith.constant 0 : index
    %get3A_44 = arith.constant 0 : index
    %get3A_45 = vector.load %arg7[%get3A_43, %get3A_44] : memref<1x128xf32, #tpu.memory_space<vmem>>, vector<1x128xf32>
    %get3A_46 = arith.constant 128 : index
    %get3A_47 = arith.constant 0 : index
    %get3A_48 = vector.load %arg8[%get3A_46, %get3A_47] : memref<384x1xf32, #tpu.memory_space<vmem>>, vector<128x1xf32>
    %dot_general3A_49 = arith.constant dense<0.000000e+00> : vector<1x1xf32>
    %dot_general3A_50 = tpu.matmul %get3A_45, %get3A_48, %dot_general3A_49 {dimension_numbers = #tpu.dot_dimension_numbers<[1], [0], [0], [1], [0, 0, 1, 1], [], []>, transpose_lhs_hint = false} : vector<1x128xf32>, vector<128x1xf32>, vector<1x1xf32> -> vector<1x1xf32>
    %add3A_51 = arith.addf %dot_general3A_42, %dot_general3A_50 : vector<1x1xf32>
    %get3A_52 = arith.constant 256 : index
    %get3A_53 = arith.constant 0 : index
    %get3A_54 = vector.load %arg8[%get3A_52, %get3A_53] : memref<384x1xf32, #tpu.memory_space<vmem>>, vector<128x1xf32>
    %dot_general3A_55 = arith.constant dense<0.000000e+00> : vector<1x1xf32>
    %dot_general3A_56 = tpu.matmul %broadcast_in_dim3A, %get3A_54, %dot_general3A_55 {dimension_numbers = #tpu.dot_dimension_numbers<[1], [0], [0], [1], [0, 0, 1, 1], [], []>, transpose_lhs_hint = false} : vector<1x128xf32>, vector<128x1xf32>, vector<1x1xf32> -> vector<1x1xf32>
    %add3A_57 = arith.addf %add3A_51, %dot_general3A_56 : vector<1x1xf32>
    %get3A_58 = arith.constant 0 : index
    %get3A_59 = arith.constant 0 : index
    %get3A_60 = vector.load %arg9[%get3A_58, %get3A_59] : memref<1x1xf32, #tpu.memory_space<vmem>>, vector<1x1xf32>
    %get3A_61 = vector.extract %get3A_60[0, 0] : f32 from vector<1x1xf32>
    %add3A_62 = vector.broadcast %get3A_61 : f32 to vector<1x1xf32>
    %add3A_63 = arith.addf %add3A_57, %add3A_62 : vector<1x1xf32>
    %logistic3A_64 = arith.negf %add3A_63 : vector<1x1xf32>
    %logistic3A_65 = math.exp %logistic3A_64 : vector<1x1xf32>
    %logistic3A_66 = arith.constant 1.000000e+00 : f32
    %logistic3A_67 = vector.broadcast %logistic3A_66 : f32 to vector<1x1xf32>
    %logistic3A_68 = arith.addf %logistic3A_67, %logistic3A_65 : vector<1x1xf32>
    %logistic3A_69 = arith.divf %logistic3A_67, %logistic3A_68 : vector<1x1xf32>
    %mul3A_70 = arith.mulf %add3A_63, %logistic3A_69 : vector<1x1xf32>
    %swap3A_71 = arith.constant 0 : index
    %swap3A_72 = arith.constant 0 : index
    %swap3A_73 = vector.load %arg11[%swap3A_71, %swap3A_72] : memref<1x1xf32, #tpu.memory_space<vmem>>, vector<1x1xf32>
    tpu.vector_store %arg11[%swap3A_71, %swap3A_72], %mul3A_70 {strides = array<i32>} : memref<1x1xf32, #tpu.memory_space<vmem>>, vector<1x1xf32>,
    return
  }
}

</mosaic_0001>

<sc_bundles>
// kernel: kernel.12.cloned.1.call-start
scs
__scs_entry_jumppad:
0x0: {  	(pc) =	sbr.rel $0x88, $3  }
0x1: {  	(tag) =	ssettag $0x0;
	lr =	simm.s32 $0x1  }
0x2: {  	[smem:$0x3F94] =	sst lr;
	_ =	strace $0xD0000000  }
0x3: {  	_ = 	snop  }
0x4: {  	_ = 	snop  }
0x5: {  	_ = 	snop  }
0x6: {  	_ = 	snop  }
0x7: {  	_ = 	snop  }
__scs_overlays_trampoline_lowered:
0x8: {  	[smem:$0x3FA3] =	sst s0  }
0x9: {  	[smem:$0x3FA4] =	sst s1  }
0xa: {  	[smem:$0x3FA5] =	sst s2  }
0xb: {  	[smem:$0x3FA6] =	sst s3  }
0xc: {  	[smem:$0x3FA7] =	sst s4  }
0xd: {  	[smem:$0x3FA8] =	sst s5  }
0xe: {  	[smem:$0x3FA9] =	sst s6  }
0xf: {  	[smem:$0x3FAA] =	sst s7  }
0x10: {  	[smem:$0x3FAB] =	sst s8  }
0x11: {  	[smem:$0x3FAC] =	sst s9;
	s0 =	simm.s32 @!p0 $0x0  }
0x12: {  	s1 =	sld [smem:$0x3F92];
	s0 =	simm.s32 @p0 $0x1  }
0x13: {  	[smem:$0x3FAD] =	sst s0;
	s0 =	simm.s32 @!p1 $0x0  }
0x14: {  	s2 =	sld [smem:$0x3F91];
	s0 =	simm.s32 @p1 $0x1  }
0x15: {  	[smem:$0x3FAE] =	sst s0;
	s0 =	simm.s32 @!p2 $0x0  }
0x16: {  	s3 =	sld [smem:$0x3FDB];
	s0 =	simm.s32 @p2 $0x1  }
0x17: {  	s4 =	simm.s32 $0x1BF5;
	[smem:$0x3FB0] =	sst s0  }
0x18: {  	s0 =	sld [smem:$0x3F93];
	_ =	swait.ge [sflag:s4], $0x0  }
0x19: {  	s7 =	sld [smem:$0x3F94]  }
0x1a: {  	s8 =	sadd.s32 $0xFFFFE003, lr  }
0x1b: {  	s9 =	sadd.s32 $0xFFFFFEF7, lr;
	s5 =	simm.s32 $0xFFFFFFFF;
	p2 =	slt.u32 s8, $0xFFFFF086  }
0x1c: {  	p1 =	slt.u32 s9, $0xF7A;
	s5 =	simm.s32 @!p2 $0x0  }
0x1d: {  	s5 =	simm.s32 @p1 $0x1;
	p0 =	seq.s32 s7, s2  }
0x1e: {  	s7 =	smul.u32 @!p0 $0xF7A, s2;
	p2 =	seq.s32 @!p0 s5, $0x0  }
0x1f: {  	s9 =	smul.u32 $0xF7A, s1;
	s8 =	simm.s32 @!p0 $0x1BF5;
	p2 =	por !p2, p0  }
0x20: {  	[sflag:s8] =	ssyncset.s32 @!p0 $0xFFFFF086;
	s6 =	sadd.s32 @!p0 s3, s7;
	s7 =	simm.s32 @!p0 $0x108  }
0x21: {  	s3 =	sadd.s32 s3, s9;
	s6 =	sadd.s32 @!p0 $0x88, s6;
	s7 =	simm.s32 @p2 $0x1082  }
0x22: {  	[simem:s7], [sflag:s8] =	dma.local @!p0 [hbm:s6], $0xF7A  }
0x23: {  	s9 =	sor.u32 $0xD0000000, s2;
	s6 =	simm.s32 $0x108;
	_ =	swait.ge @!p0 [sflag:s8], $0x0  }
0x24: {  	s3 =	sadd.s32 $0x88, s3;
	s6 =	simm.s32 @!p1 $0x1082;
	[sflag:s4] =	ssyncset.s32 $0xFFFFF086  }
0x25: {  	[simem:s6], [sflag:s4] =	dma.local [hbm:s3], $0xF7A  }
0x26: {  	[smem:$0x3F94] =	sst s1;
	(tag) =	ssettag s2;
	_ =	strace s9  }
0x27: {  	s1 =	sld [smem:$0x3FA4]  }
0x28: {  	s2 =	sld [smem:$0x3FA5]  }
0x29: {  	s4 =	sld [smem:$0x3FA7]  }
0x2a: {  	p0 =	seq.s32 s5, $0x0;
	s5 =	sld [smem:$0x3FA8]  }
0x2b: {  	s6 =	sld [smem:$0x3FA9]  }
0x2c: {  	s7 =	sld [smem:$0x3FAA]  }
0x2d: {  	s3 =	simm.s32 $0x108;
	s8 =	sld [smem:$0x3FAB]  }
0x2e: {  	s3 =	simm.s32 @!p0 $0x1082;
	s9 =	sld [smem:$0x3FAC]  }
0x2f: {  	lr =	sadd.s32 s0, s3;
	s0 =	sld [smem:$0x3FA3]  }
0x30: {  	s3 =	sld [smem:$0x3FA6]  }
0x31: {  	[smem:$0x3FAF] =	sst s10  }
0x32: {  	s10 =	sld [smem:$0x3FAD];
	_ =	sdelay $0x3  }
0x33: {  	p0 =	seq.s32 s10, $0x1;
	s10 =	sld [smem:$0x3FAF];
	_ =	sdelay $0x3  }
0x34: {  	[smem:$0x3FAF] =	sst s10  }
0x35: {  	s10 =	sld [smem:$0x3FAE];
	_ =	sdelay $0x3  }
0x36: {  	p1 =	seq.s32 s10, $0x1;
	s10 =	sld [smem:$0x3FAF];
	_ =	sdelay $0x3  }
0x37: {  	[smem:$0x3FAF] =	sst s10  }
0x38: {  	s10 =	sld [smem:$0x3FB0]  }
0x39: {  	_ = 	snop;
	(pc) =	sbr.ind lr, $3  }
0x3a: {  	_ = 	snop  }
0x3b: {  	_ = 	snop  }
0x3c: {  	p2 =	seq.s32 s10, $0x1;
	s10 =	sld [smem:$0x3FAF]  }
0x3d: {  	_ =	shalt  }
0x3e: {  	_ =	shalt  }
0x3f: {  	_ =	shalt  }
0x40: {  	_ =	shalt  }
0x41: {  	_ =	shalt  }
0x42: {  	_ =	shalt  }
0x43: {  	_ =	shalt  }
0x44: {  	_ =	shalt  }
0x45: {  	_ =	shalt  }
0x46: {  	_ =	shalt  }
0x47: {  	_ =	shalt  }
0x48: {  	_ =	shalt  }
0x49: {  	_ =	shalt  }
0x4a: {  	_ =	shalt  }
0x4b: {  	_ =	shalt  }
0x4c: {  	_ =	shalt  }
0x4d: {  	_ =	shalt  }
0x4e: {  	_ =	shalt  }
0x4f: {  	_ =	shalt  }
0x50: {  	_ =	shalt  }
0x51: {  	_ =	shalt  }
0x52: {  	_ =	shalt  }
0x53: {  	_ =	shalt  }
0x54: {  	_ =	shalt  }
0x55: {  	_ =	shalt  }
0x56: {  	_ =	shalt  }
0x57: {  	_ =	shalt  }
0x58: {  	_ =	shalt  }
0x59: {  	_ =	shalt  }
0x5a: {  	_ =	shalt  }
0x5b: {  	_ =	shalt  }
0x5c: {  	_ =	shalt  }
0x5d: {  	_ =	shalt  }
0x5e: {  	_ =	shalt  }
0x5f: {  	_ =	shalt  }
0x60: {  	_ =	shalt  }
0x61: {  	_ =	shalt  }
0x62: {  	_ =	shalt  }
0x63: {  	_ =	shalt  }
0x64: {  	_ =	shalt  }
0x65: {  	_ =	shalt  }
0x66: {  	_ =	shalt  }
0x67: {  	_ =	shalt  }
0x68: {  	_ =	shalt  }
0x69: {  	_ =	shalt  }
0x6a: {  	_ =	shalt  }
0x6b: {  	_ =	shalt  }
0x6c: {  	_ =	shalt  }
0x6d: {  	_ =	shalt  }
0x6e: {  	_ =	shalt  }
0x6f: {  	_ =	shalt  }
0x70: {  	_ =	shalt  }
0x71: {  	_ =	shalt  }
0x72: {  	_ =	shalt  }
0x73: {  	_ =	shalt  }
0x74: {  	_ =	shalt  }
0x75: {  	_ =	shalt  }
0x76: {  	_ =	shalt  }
0x77: {  	_ =	shalt  }
0x78: {  	_ =	shalt  }
0x79: {  	_ =	shalt  }
0x7a: {  	_ =	shalt  }
0x7b: {  	_ =	shalt  }
0x7c: {  	_ =	shalt  }
0x7d: {  	_ =	shalt  }
0x7e: {  	_ =	shalt  }
0x7f: {  	_ =	shalt  }
0x80: {  	_ =	shalt  }
0x81: {  	_ =	shalt  }
0x82: {  	_ =	shalt  }
0x83: {  	_ =	shalt  }
0x84: {  	_ =	shalt  }
0x85: {  	_ =	shalt  }
0x86: {  	_ =	shalt  }
0x87: {  	_ =	shalt  }
.Lfunc_end0:
.L_simem_size_0:
called_computation.1_lowered:
.L_overlay_start_0:
0x88: {  	s2 =	sld [smem:$0x3FD9]  }
0x89: {  	s3 =	sld [smem:$0x3FFE];
	_ =	sdelay $0x1  }
0x8a: {  	s1 =	srdreg.scid  }
0x8b: {  	s0 =	sand.u32 $0x1, s1  }
0x8c: {  	s16 =	sshll.u32 s0, $0xA;
	s2 =	sadd.s32 s3, s2  }
0x8d: {  	s2 =	sadd.s32 s2, s16  }
0x8e: {  	[smem:$0x3FBB] =	sst s2  }
0x8f: {  	_ = 	snop  }
0x90: {  	(tm) =	ssettm $0x1  }
0x91: {  	s17 =	sld [smem:$0x3FFB];
	_ =	sdelay $0x3  }
0x92: {  	_ =	strace s17  }
0x93: {  	s2 =	sld [smem:$0x3FFC];
	_ =	sdelay $0x3  }
0x94: {  	_ =	strace s2  }
0x95: {  	s2 =	sld [smem:$0x3FFD];
	_ =	sdelay $0x3  }
0x96: {  	_ =	strace s2  }
0x97: {  	_ =	strace $0x8FFFFFFF  }
0x98: {  	s18 =	sld [smem:$0x3FDB];
	_ =	sdelay $0x1  }
0x99: {  	s19 =	simm.s32 $_scs_section_size  }
0x9a: {  	s4 =	simm.s32 $_size__tile_overlayer_lowered;
	s5 =	simm.s32 $_tile_overlayer_lowered  }
0x9b: {  	s22 =	simm.s32 $0x1BFF;
	s21 =	sshll.u32 s5, $0x1;
	s2 =	sadd.s32 s19, s18  }
0x9c: {  	s6 =	simm.s32 $0x0;
	s20 =	sshll.u32 s4, $0x1;
	s4 =	sadd.s32 s21, s2  }
0x9d: {  	[timem:s6], [sflag:s22] =	dma.local [hbm:s4], s20  }
0x9e: {  	_ =	swait.ge [sflag:s22], s20  }
0x9f: {  	s3 =	ssub.s32 $0x0, s20;
	[sflag:s22] =	ssyncset.done $0x0  }
0xa0: {  	[sflag:s22] =	ssyncadd.s32 s3;
	_ =	sdelay $0x1  }
0xa1: {  	s23 =	simm.s32 $0x1B8B  }
0xa2: {  	_ =	swait.ge [sflag:s23], $0x1  }
0xa3: {  	[sflag:s23] =	ssyncset.done $0x0  }
0xa4: {  	s25 =	simm.s32 $0x1B8E;
	s24 =	sld [smem:$0x3FFE];
	[sflag:s23] =	ssyncadd.s32 $0xFFFFFFFF  }
0xa5: {  	s26 =	simm.s32 $execute0_lowered;
	[smem:$0x3FD2] =	sst s25  }
0xa6: {  	s4 =	sshll.u32 s26, $0x1;
	_ =	strace $0x80000049;
	[dreg:$0x1] =	wrdreg $0xFFFFFFFF  }
0xa7: {  	s28 =	simm.s32 $_size_execute0_lowered;
	s2 =	sadd.s32 s2, s4;
	[dreg:$0x0] =	wrdreg $0x0  }
0xa8: {  	s4 =	sshll.u32 s28, $0x1;
	[dreg:$0x2] =	wrdreg s2  }
0xa9: {  	[dreg:$0x3] =	wrdreg s4  }
0xaa: {  	[dreg:$0x4] =	wrdreg $0xC0  }
0xab: {  	_ =	task [dreg:s6], $0x5FFFF  }
0xac: {  	[dreg:$0x1] =	wrdreg $0xFFFFFFFF  }
0xad: {  	[dreg:$0x0] =	wrdreg $0x60  }
0xae: {  	[dreg:$0x2] =	wrdreg s24  }
0xaf: {  	[dreg:$0x3] =	wrdreg $0x0  }
0xb0: {  	[dreg:$0x4] =	wrdreg $0x9  }
0xb1: {  	_ =	task.clear_ibuf [dreg:s6], $0x5FFFF;
	_ =	strace $0x90000049  }
0xb2: {  	s29 =	simm.s32 $0x9;
	_ =	strace $0x8000004B  }
0xb3: {  	_ =	swait.ge [sflag:s29], $0x1  }
0xb4: {  	[sflag:s29] =	ssyncadd.s32 $0xFFFFFFFF  }
0xb5: {  	_ =	strace $0x9000004B  }
0xb6: {  	_ =	sfence  }
0xb7: {  	s30 =	sld [smem:$0x0];
	_ =	sdelay $0x2  }
0xb8: {  	s31 =	sshll.u32 s1, $0xD;
	s1 =	sshrl.u32 s1, $0x2  }
0xb9: {  	s3 =	sand.u32 $0x4000, s31;
	s1 =	sadd.s32 s1, s30  }
0xba: {  	s0 =	sor.u32 s3, s0;
	s1 =	sshll.u32 s1, $0x11  }
0xbb: {  	s0 =	sor.u32 s1, s0  }
0xbc: {  	s0 =	sadd.s32 $0x8F2B, s0  }
0xbd: {  	[sflag:s0] =	ssyncadd.remote.s32 $0x1  }
0xbe: {  	_ =	sfence.sel $0xFFFF  }
0xbf: {  	[dreg:$0x0] =	wrdreg $0xFFFFFFFF;
	(pc) =	sbr.abs _section_cstart, $3  }
0xc0: {  	[dreg:$0x1] =	wrdreg $0xFFFFFFFF  }
0xc1: {  	_ =	task.clear_ibuf [dreg:s6], $0x2FFFF;
	_ =	strace $0x9FFFFFFF  }
0xc2: {  	(tm) =	ssettm $0x7FFFFFFF  }
0xc3: {  	_ =	shalt  }
tec
execute0_lowered:
.L_overlay_start_1:
0x0: {  	(tag) =	ssettag $0x1  }
0x1: {  	s5 =	rddreg [dreg:$0x0]  }
0x2: {  	s2 =	rddreg [dreg:$0x1]  }
0x3: {  	s0 =	srdreg.scid;
	s1 =	rddreg [dreg:$0x2];
	s3 =	simm.s32 $0x0  }
0x4: {  	s13 =	simm.s32 $0x13C00;
	s14 =	simm.s32 $0x13C80;
	s6 =	sand.u32 $0x1, s0  }
0x5: {  	s15 =	simm.s32 $0x50;
	s0 =	stileid.u32;
	s4 =	smul.u32 $0x27100, s6  }
0x6: {  	s16 =	simm.s32 $0x13D00;
	s17 =	simm.s32 $0x1;
	s7 =	smul.u32 $0x2710, s0  }
0x7: {  	s18 =	simm.s32 $0x0;
	[smem:$0x7FF] =	sst s3;
	s25 =	smul.u32 $0x2780, s0  }
0x8: {  	s9 =	smul.u32 $0x27800, s6;
	_ =	strace $0x8000004A;
	s6 =	ssub.s32 $0x2, s6  }
0x9: {  	s28 =	smul.u32 $0x4F000, s0;
	s31 =	sshll.u32 s0, $0x6;
	s29 =	sshrl.u32 s6, $0x1  }
0xa: {  	s4 =	sadd.s32 s7, s4;
	s26 =	sadd.s32 s25, s9;
	s7 =	sadd.s32 s25, s5  }
0xb: {  	s11 =	ssub.s32 s6, s29;
	s30 =	sshrl.u32 s28, $0x2;
	s6 =	sor.u32 $0x1C02, s31  }
0xc: {  	s8 =	sshrl.u32 s4, $0x3;
	s4 =	sadd.s32 $0x16200, s5;
	s12 =	sadd.s32 s30, s2  }
0xd: {  	s10 =	sadd.s32 s8, s5;
	s8 =	sadd.s32 s26, s5;
	s5 =	sadd.s32 $0x3D400, s7  }
0xe: {  	s7 =	sadd.s32 $0x64C00, s8;
	s8 =	smax.u32 s11, $0x1;
	s9 =	sadd.s32 $0x2600, s10  }
0xf: {  	s10 =	sadd.s32 $0xC400, s10;
	s11 =	sshrl.u32 s12, $0x3;
	s12 =	simm.s32 $0x2  }
.LBB2_1:
0x10: {  	[spmem:s11], [sflag:s6] =	dma.local [hbm:s5], $0x2780  }
0x11: {  	_ =	swait.ge [sflag:s12], $0x2780  }
0x12: {  	[sflag:s12] =	ssyncset.done $0x0  }
0x13: {  	[sflag:s12] =	ssyncadd.s32 $0xFFFFD880  }
0x14: {  	s19 =	sadd.s32 $0x0, s10;
	[bflag:$0x0] =	sbarrier.arrive $0xFFFF  }
0x15: {  	[tilespmem:s13], [sflag:$0x2] =	stream.linear.gather [hbm4b:s19+s3], $0x50, $0x38;
	[tilespmem:$0x16500] =	vst v63  }
0x16: {  	_ =	swait.ge [sflag:s12], $0x50  }
0x17: {  	[sflag:s12] =	ssyncset.done $0x0  }
0x18: {  	s31 =	sadd.s32 $0x0, s9;
	[sflag:s12] =	ssyncadd.s32 $0xFFFFFFB0  }
0x19: {  	[tilespmem:s14], [sflag:$0x2] =	stream.linear.gather [hbm4b:s31+s3], $0x50, $0x38;
	[tilespmem:$0x16500] =	vst v63  }
0x1a: {  	_ =	swait.ge [sflag:s12], $0x50  }
0x1b: {  	[sflag:s12] =	ssyncset.done $0x0  }
0x1c: {  	[sflag:s12] =	ssyncadd.s32 $0xFFFFFFB0  }
0x1d: {  	[tilespmem:s16], [sflag:$0x1] =	stream.indirect.gather [hbm4b:s4+s15], $0x80, s13, s15, $0xb8;
	[tilespmem:$0x16500] =	vst v63  }
0x1e: {  	_ =	swait.ge [sflag:s17], $0x2800  }
0x1f: {  	[sflag:s17] =	ssyncset.done $0x0  }
0x20: {  	[sflag:s17] =	ssyncadd.s32 $0xFFFFD800  }
0x21: {  	[spmem:s2] =	stream.indirect.scatter.add.f32 [tilespmem:s16], [sflag:$0x2], $0x80, s14, s15, $0xb8;
	[tilespmem:$0x16500] =	vst v63  }
0x22: {  	_ =	swait.ge [sflag:s12], $0x2800  }
0x23: {  	s20 =	simm.s32 $0x14;
	s19 =	simm.s32 $0xA;
	[sflag:s12] =	ssyncset.done $0x0  }
.LBB2_2:
0x24: {  	s21 =	sadd.s32 s19, s10  }
0x25: {  	[sflag:s12] =	ssyncadd.s32 $0xFFFFD800;
	s22 =	smov.u32 s20;
	s23 =	sadd.s32 $0xA, s20  }
0x26: {  	[tilespmem:s13], [sflag:$0x2] =	stream.linear.gather [hbm4b:s21+s3], $0x50, $0x38;
	[tilespmem:$0x16500] =	vst v63  }
0x27: {  	p0 =	sne.s32 s20, $0x4D8;
	_ =	swait.ge [sflag:s12], $0x50  }
0x28: {  	[sflag:s12] =	ssyncset.done $0x0  }
0x29: {  	s20 =	sadd.s32 s19, s9;
	s19 =	smov.u32 s22;
	[sflag:s12] =	ssyncadd.s32 $0xFFFFFFB0  }
0x2a: {  	[tilespmem:s14], [sflag:$0x2] =	stream.linear.gather [hbm4b:s20+s3], $0x50, $0x38;
	[tilespmem:$0x16500] =	vst v63  }
0x2b: {  	_ =	swait.ge [sflag:s12], $0x50  }
0x2c: {  	[sflag:s12] =	ssyncset.done $0x0  }
0x2d: {  	[sflag:s12] =	ssyncadd.s32 $0xFFFFFFB0  }
0x2e: {  	[tilespmem:s16], [sflag:$0x1] =	stream.indirect.gather [hbm4b:s4+s15], $0x80, s13, s15, $0xb8;
	[tilespmem:$0x16500] =	vst v63  }
0x2f: {  	_ =	swait.ge [sflag:s17], $0x2800  }
.Ltmp0:
0x30: {  	[sflag:s17] =	ssyncset.done $0x0;
	(pc) =	sbr.rel @p0 .LBB2_2-.Ltmp0, $4  }
0x31: {  	[sflag:s17] =	ssyncadd.s32 $0xFFFFD800  }
0x32: {  	[spmem:s2] =	stream.indirect.scatter.add.f32 [tilespmem:s16], [sflag:$0x2], $0x80, s14, s15, $0xb8;
	[tilespmem:$0x16500] =	vst v63  }
0x33: {  	_ =	swait.ge [sflag:s12], $0x2800  }
0x34: {  	s20 =	smov.u32 s23;
	[sflag:s12] =	ssyncset.done $0x0  }
0x35: {  	s20 =	sadd.s32 s19, s10;
	[sflag:s12] =	ssyncadd.s32 $0xFFFFD800  }
0x36: {  	[tilespmem:s13], [sflag:$0x2] =	stream.linear.gather [hbm4b:s20+s3], $0x50, $0x38;
	[tilespmem:$0x16500] =	vst v63  }
0x37: {  	_ =	swait.ge [sflag:s12], $0x50  }
0x38: {  	[sflag:s12] =	ssyncset.done $0x0  }
0x39: {  	s31 =	sadd.s32 s19, s9;
	[sflag:s12] =	ssyncadd.s32 $0xFFFFFFB0  }
0x3a: {  	[tilespmem:s14], [sflag:$0x2] =	stream.linear.gather [hbm4b:s31+s3], $0x50, $0x38;
	[tilespmem:$0x16500] =	vst v63  }
0x3b: {  	_ =	swait.ge [sflag:s12], $0x50  }
0x3c: {  	[sflag:s12] =	ssyncset.done $0x0  }
0x3d: {  	[sflag:s12] =	ssyncadd.s32 $0xFFFFFFB0  }
0x3e: {  	[tilespmem:s16], [sflag:$0x1] =	stream.indirect.gather [hbm4b:s4+s15], $0x80, s13, s15, $0xb8;
	[tilespmem:$0x16500] =	vst v63  }
0x3f: {  	_ =	swait.ge [sflag:s17], $0x2800  }
0x40: {  	[sflag:s17] =	ssyncset.done $0x0  }
0x41: {  	[sflag:s17] =	ssyncadd.s32 $0xFFFFD800  }
0x42: {  	[spmem:s2] =	stream.indirect.scatter.add.f32 [tilespmem:s16], [sflag:$0x2], $0x80, s14, s15, $0xb8;
	[tilespmem:$0x16500] =	vst v63  }
0x43: {  	_ =	swait.ge [sflag:s12], $0x2800  }
0x44: {  	s18 =	sadd.s32 $0x1, s18;
	[sflag:s12] =	ssyncset.done $0x0  }
0x45: {  	p0 =	sne.s32 s18, s8;
	[sflag:s12] =	ssyncadd.s32 $0xFFFFD800  }
.Ltmp1:
0x46: {  	[bflag:$0x0] =	sbarrier.arrive $0xFFFF;
	(pc) =	sbr.rel @p0 .LBB2_1-.Ltmp1, $4  }
0x47: {  	[hbm:s7], [sflag:s6] =	dma.local [spmem:s11], $0x2780  }
0x48: {  	_ =	swait.ge [sflag:s12], $0x2780  }
0x49: {  	[sflag:s12] =	ssyncset.done $0x0  }
0x4a: {  	[sflag:s12] =	ssyncadd.s32 $0xFFFFD880  }
0x4b: {  	_ =	sfence.sel $0x180000  }
0x4c: {  	[bflag:$0x0] =	sbarrier.arrive $0xFFFF  }
0x4d: {  	p0 =	sne.s32 s0, $0x0;
	_ =	strace $0x9000004A  }
0x4e: {  	s0 =	sadd.s32 @!p0 $0x100000, s1;
	[bflag:$0x2] =	sbarrier.arrive $0xFFFF  }
0x4f: {  	[sflag:s0] =	ssyncadd.tile.s32 @!p0 $0x1;
	_ =	shalt  }
.Lfunc_end2:
_tile_overlayer_lowered:
.L_overlay_start_2:
0x50: {  	(tag) =	ssettag $0x2  }
0x51: {  	s0 =	rddreg [dreg:$0x0];
	s2 =	stileid.u32  }
0x52: {  	s1 =	rddreg [dreg:$0x1];
	p0 =	sne.s32 s2, $0x0  }
0x53: {  	s3 =	rddreg [dreg:$0x2];
	[bflag:$0x3] =	sbarrier.arrive $0xFFFF;
	s2 =	simm.s32 @!p0 $0x1C02  }
0x54: {  	[timem:s3], [sflag:s2] =	dma.local @!p0 [hbm:s0], s1  }
0x55: {  	s0 =	simm.s32 @!p0 $0x2  }
0x56: {  	_ =	swait.ge @!p0 [sflag:s0], s1  }
0x57: {  	s1 =	ssub.s32 @!p0 $0x0, s1;
	[sflag:s0] =	ssyncset.done @!p0 $0x0  }
0x58: {  	[sflag:s0] =	ssyncadd.s32 @!p0 s1  }
0x59: {  	[bflag:$0x3] =	sbarrier.arrive $0xFFFF  }
0x5a: {  	_ =	shalt  }

// kernel: kernel.15.cloned.1.call-start
scs
__scs_entry_jumppad:
0x0: {  	(pc) =	sbr.rel $0x88, $3  }
0x1: {  	(tag) =	ssettag $0x0;
	lr =	simm.s32 $0x1  }
0x2: {  	[smem:$0x3F94] =	sst lr;
	_ =	strace $0xD0000000  }
0x3: {  	_ = 	snop  }
0x4: {  	_ = 	snop  }
0x5: {  	_ = 	snop  }
0x6: {  	_ = 	snop  }
0x7: {  	_ = 	snop  }
__scs_overlays_trampoline_lowered:
0x8: {  	[smem:$0x3FA3] =	sst s0  }
0x9: {  	[smem:$0x3FA4] =	sst s1  }
0xa: {  	[smem:$0x3FA5] =	sst s2  }
0xb: {  	[smem:$0x3FA6] =	sst s3  }
0xc: {  	[smem:$0x3FA7] =	sst s4  }
0xd: {  	[smem:$0x3FA8] =	sst s5  }
0xe: {  	[smem:$0x3FA9] =	sst s6  }
0xf: {  	[smem:$0x3FAA] =	sst s7  }
0x10: {  	[smem:$0x3FAB] =	sst s8  }
0x11: {  	[smem:$0x3FAC] =	sst s9;
	s0 =	simm.s32 @!p0 $0x0  }
0x12: {  	s1 =	sld [smem:$0x3F92];
	s0 =	simm.s32 @p0 $0x1  }
0x13: {  	[smem:$0x3FAD] =	sst s0;
	s0 =	simm.s32 @!p1 $0x0  }
0x14: {  	s2 =	sld [smem:$0x3F91];
	s0 =	simm.s32 @p1 $0x1  }
0x15: {  	[smem:$0x3FAE] =	sst s0;
	s0 =	simm.s32 @!p2 $0x0  }
0x16: {  	s3 =	sld [smem:$0x3FDB];
	s0 =	simm.s32 @p2 $0x1  }
0x17: {  	s4 =	simm.s32 $0x1BF5;
	[smem:$0x3FB0] =	sst s0  }
0x18: {  	s0 =	sld [smem:$0x3F93];
	_ =	swait.ge [sflag:s4], $0x0  }
0x19: {  	s7 =	sld [smem:$0x3F94]  }
0x1a: {  	s8 =	sadd.s32 $0xFFFFE003, lr  }
0x1b: {  	s9 =	sadd.s32 $0xFFFFFEF7, lr;
	s5 =	simm.s32 $0xFFFFFFFF;
	p2 =	slt.u32 s8, $0xFFFFF086  }
0x1c: {  	p1 =	slt.u32 s9, $0xF7A;
	s5 =	simm.s32 @!p2 $0x0  }
0x1d: {  	s5 =	simm.s32 @p1 $0x1;
	p0 =	seq.s32 s7, s2  }
0x1e: {  	s7 =	smul.u32 @!p0 $0xF7A, s2;
	p2 =	seq.s32 @!p0 s5, $0x0  }
0x1f: {  	s9 =	smul.u32 $0xF7A, s1;
	s8 =	simm.s32 @!p0 $0x1BF5;
	p2 =	por !p2, p0  }
0x20: {  	[sflag:s8] =	ssyncset.s32 @!p0 $0xFFFFF086;
	s6 =	sadd.s32 @!p0 s3, s7;
	s7 =	simm.s32 @!p0 $0x108  }
0x21: {  	s3 =	sadd.s32 s3, s9;
	s6 =	sadd.s32 @!p0 $0x88, s6;
	s7 =	simm.s32 @p2 $0x1082  }
0x22: {  	[simem:s7], [sflag:s8] =	dma.local @!p0 [hbm:s6], $0xF7A  }
0x23: {  	s9 =	sor.u32 $0xD0000000, s2;
	s6 =	simm.s32 $0x108;
	_ =	swait.ge @!p0 [sflag:s8], $0x0  }
0x24: {  	s3 =	sadd.s32 $0x88, s3;
	s6 =	simm.s32 @!p1 $0x1082;
	[sflag:s4] =	ssyncset.s32 $0xFFFFF086  }
0x25: {  	[simem:s6], [sflag:s4] =	dma.local [hbm:s3], $0xF7A  }
0x26: {  	[smem:$0x3F94] =	sst s1;
	(tag) =	ssettag s2;
	_ =	strace s9  }
0x27: {  	s1 =	sld [smem:$0x3FA4]  }
0x28: {  	s2 =	sld [smem:$0x3FA5]  }
0x29: {  	s4 =	sld [smem:$0x3FA7]  }
0x2a: {  	p0 =	seq.s32 s5, $0x0;
	s5 =	sld [smem:$0x3FA8]  }
0x2b: {  	s6 =	sld [smem:$0x3FA9]  }
0x2c: {  	s7 =	sld [smem:$0x3FAA]  }
0x2d: {  	s3 =	simm.s32 $0x108;
	s8 =	sld [smem:$0x3FAB]  }
0x2e: {  	s3 =	simm.s32 @!p0 $0x1082;
	s9 =	sld [smem:$0x3FAC]  }
0x2f: {  	lr =	sadd.s32 s0, s3;
	s0 =	sld [smem:$0x3FA3]  }
0x30: {  	s3 =	sld [smem:$0x3FA6]  }
0x31: {  	[smem:$0x3FAF] =	sst s10  }
0x32: {  	s10 =	sld [smem:$0x3FAD];
	_ =	sdelay $0x3  }
0x33: {  	p0 =	seq.s32 s10, $0x1;
	s10 =	sld [smem:$0x3FAF];
	_ =	sdelay $0x3  }
0x34: {  	[smem:$0x3FAF] =	sst s10  }
0x35: {  	s10 =	sld [smem:$0x3FAE];
	_ =	sdelay $0x3  }
0x36: {  	p1 =	seq.s32 s10, $0x1;
	s10 =	sld [smem:$0x3FAF];
	_ =	sdelay $0x3  }
0x37: {  	[smem:$0x3FAF] =	sst s10  }
0x38: {  	s10 =	sld [smem:$0x3FB0]  }
0x39: {  	_ = 	snop;
	(pc) =	sbr.ind lr, $3  }
0x3a: {  	_ = 	snop  }
0x3b: {  	_ = 	snop  }
0x3c: {  	p2 =	seq.s32 s10, $0x1;
	s10 =	sld [smem:$0x3FAF]  }
0x3d: {  	_ =	shalt  }
0x3e: {  	_ =	shalt  }
0x3f: {  	_ =	shalt  }
0x40: {  	_ =	shalt  }
0x41: {  	_ =	shalt  }
0x42: {  	_ =	shalt  }
0x43: {  	_ =	shalt  }
0x44: {  	_ =	shalt  }
0x45: {  	_ =	shalt  }
0x46: {  	_ =	shalt  }
0x47: {  	_ =	shalt  }
0x48: {  	_ =	shalt  }
0x49: {  	_ =	shalt  }
0x4a: {  	_ =	shalt  }
0x4b: {  	_ =	shalt  }
0x4c: {  	_ =	shalt  }
0x4d: {  	_ =	shalt  }
0x4e: {  	_ =	shalt  }
0x4f: {  	_ =	shalt  }
0x50: {  	_ =	shalt  }
0x51: {  	_ =	shalt  }
0x52: {  	_ =	shalt  }
0x53: {  	_ =	shalt  }
0x54: {  	_ =	shalt  }
0x55: {  	_ =	shalt  }
0x56: {  	_ =	shalt  }
0x57: {  	_ =	shalt  }
0x58: {  	_ =	shalt  }
0x59: {  	_ =	shalt  }
0x5a: {  	_ =	shalt  }
0x5b: {  	_ =	shalt  }
0x5c: {  	_ =	shalt  }
0x5d: {  	_ =	shalt  }
0x5e: {  	_ =	shalt  }
0x5f: {  	_ =	shalt  }
0x60: {  	_ =	shalt  }
0x61: {  	_ =	shalt  }
0x62: {  	_ =	shalt  }
0x63: {  	_ =	shalt  }
0x64: {  	_ =	shalt  }
0x65: {  	_ =	shalt  }
0x66: {  	_ =	shalt  }
0x67: {  	_ =	shalt  }
0x68: {  	_ =	shalt  }
0x69: {  	_ =	shalt  }
0x6a: {  	_ =	shalt  }
0x6b: {  	_ =	shalt  }
0x6c: {  	_ =	shalt  }
0x6d: {  	_ =	shalt  }
0x6e: {  	_ =	shalt  }
0x6f: {  	_ =	shalt  }
0x70: {  	_ =	shalt  }
0x71: {  	_ =	shalt  }
0x72: {  	_ =	shalt  }
0x73: {  	_ =	shalt  }
0x74: {  	_ =	shalt  }
0x75: {  	_ =	shalt  }
0x76: {  	_ =	shalt  }
0x77: {  	_ =	shalt  }
0x78: {  	_ =	shalt  }
0x79: {  	_ =	shalt  }
0x7a: {  	_ =	shalt  }
0x7b: {  	_ =	shalt  }
0x7c: {  	_ =	shalt  }
0x7d: {  	_ =	shalt  }
0x7e: {  	_ =	shalt  }
0x7f: {  	_ =	shalt  }
0x80: {  	_ =	shalt  }
0x81: {  	_ =	shalt  }
0x82: {  	_ =	shalt  }
0x83: {  	_ =	shalt  }
0x84: {  	_ =	shalt  }
0x85: {  	_ =	shalt  }
0x86: {  	_ =	shalt  }
0x87: {  	_ =	shalt  }
.Lfunc_end0:
.L_simem_size_0:
called_computation.2_lowered:
.L_overlay_start_0:
0x88: {  	s2 =	sld [smem:$0x3FD9]  }
0x89: {  	s3 =	sld [smem:$0x3FFE];
	_ =	sdelay $0x1  }
0x8a: {  	s1 =	srdreg.scid  }
0x8b: {  	s0 =	sand.u32 $0x1, s1  }
0x8c: {  	s16 =	sshll.u32 s0, $0xA;
	s2 =	sadd.s32 s3, s2  }
0x8d: {  	s2 =	sadd.s32 s2, s16  }
0x8e: {  	[smem:$0x3FBB] =	sst s2  }
0x8f: {  	_ = 	snop  }
0x90: {  	(tm) =	ssettm $0x1  }
0x91: {  	s17 =	sld [smem:$0x3FFB];
	_ =	sdelay $0x3  }
0x92: {  	_ =	strace s17  }
0x93: {  	s2 =	sld [smem:$0x3FFC];
	_ =	sdelay $0x3  }
0x94: {  	_ =	strace s2  }
0x95: {  	s2 =	sld [smem:$0x3FFD];
	_ =	sdelay $0x3  }
0x96: {  	_ =	strace s2  }
0x97: {  	_ =	strace $0x8FFFFFFF  }
0x98: {  	s18 =	sld [smem:$0x3FDB];
	_ =	sdelay $0x1  }
0x99: {  	s19 =	simm.s32 $_scs_section_size  }
0x9a: {  	s4 =	simm.s32 $_size__tile_overlayer_lowered;
	s5 =	simm.s32 $_tile_overlayer_lowered  }
0x9b: {  	s22 =	simm.s32 $0x1BFF;
	s21 =	sshll.u32 s5, $0x1;
	s2 =	sadd.s32 s19, s18  }
0x9c: {  	s6 =	simm.s32 $0x0;
	s20 =	sshll.u32 s4, $0x1;
	s4 =	sadd.s32 s21, s2  }
0x9d: {  	[timem:s6], [sflag:s22] =	dma.local [hbm:s4], s20  }
0x9e: {  	_ =	swait.ge [sflag:s22], s20  }
0x9f: {  	s3 =	ssub.s32 $0x0, s20;
	[sflag:s22] =	ssyncset.done $0x0  }
0xa0: {  	[sflag:s22] =	ssyncadd.s32 s3;
	_ =	sdelay $0x1  }
0xa1: {  	s23 =	simm.s32 $0x1B8B  }
0xa2: {  	_ =	swait.ge [sflag:s23], $0x1  }
0xa3: {  	[sflag:s23] =	ssyncset.done $0x0  }
0xa4: {  	s25 =	simm.s32 $0x1B8E;
	s24 =	sld [smem:$0x3FFE];
	[sflag:s23] =	ssyncadd.s32 $0xFFFFFFFF  }
0xa5: {  	s26 =	simm.s32 $execute0_lowered;
	[smem:$0x3FD2] =	sst s25  }
0xa6: {  	s4 =	sshll.u32 s26, $0x1;
	_ =	strace $0x8000004C;
	[dreg:$0x1] =	wrdreg $0xFFFFFFFF  }
0xa7: {  	s28 =	simm.s32 $_size_execute0_lowered;
	s2 =	sadd.s32 s2, s4;
	[dreg:$0x0] =	wrdreg $0x0  }
0xa8: {  	s4 =	sshll.u32 s28, $0x1;
	[dreg:$0x2] =	wrdreg s2  }
0xa9: {  	[dreg:$0x3] =	wrdreg s4  }
0xaa: {  	[dreg:$0x4] =	wrdreg $0xC0  }
0xab: {  	_ =	task [dreg:s6], $0x5FFFF  }
0xac: {  	[dreg:$0x1] =	wrdreg $0xFFFFFFFF  }
0xad: {  	[dreg:$0x0] =	wrdreg $0x60  }
0xae: {  	[dreg:$0x2] =	wrdreg s24  }
0xaf: {  	[dreg:$0x3] =	wrdreg $0x0  }
0xb0: {  	[dreg:$0x4] =	wrdreg $0x9  }
0xb1: {  	_ =	task.clear_ibuf [dreg:s6], $0x5FFFF;
	_ =	strace $0x9000004C  }
0xb2: {  	s29 =	simm.s32 $0x9;
	_ =	strace $0x8000004E  }
0xb3: {  	_ =	swait.ge [sflag:s29], $0x1  }
0xb4: {  	[sflag:s29] =	ssyncadd.s32 $0xFFFFFFFF  }
0xb5: {  	_ =	strace $0x9000004E  }
0xb6: {  	_ =	sfence  }
0xb7: {  	s30 =	sld [smem:$0x0];
	_ =	sdelay $0x2  }
0xb8: {  	s31 =	sshll.u32 s1, $0xD;
	s1 =	sshrl.u32 s1, $0x2  }
0xb9: {  	s3 =	sand.u32 $0x4000, s31;
	s1 =	sadd.s32 s1, s30  }
0xba: {  	s0 =	sor.u32 s3, s0;
	s1 =	sshll.u32 s1, $0x11  }
0xbb: {  	s0 =	sor.u32 s1, s0  }
0xbc: {  	s0 =	sadd.s32 $0x8F2B, s0  }
0xbd: {  	[sflag:s0] =	ssyncadd.remote.s32 $0x1  }
0xbe: {  	_ =	sfence.sel $0xFFFF  }
0xbf: {  	[dreg:$0x0] =	wrdreg $0xFFFFFFFF;
	(pc) =	sbr.abs _section_cstart, $3  }
0xc0: {  	[dreg:$0x1] =	wrdreg $0xFFFFFFFF  }
0xc1: {  	_ =	task.clear_ibuf [dreg:s6], $0x2FFFF;
	_ =	strace $0x9FFFFFFF  }
0xc2: {  	(tm) =	ssettm $0x7FFFFFFF  }
0xc3: {  	_ =	shalt  }
tec
execute0_lowered:
.L_overlay_start_1:
0x0: {  	(tag) =	ssettag $0x1  }
0x1: {  	s5 =	rddreg [dreg:$0x0]  }
0x2: {  	s2 =	rddreg [dreg:$0x1]  }
0x3: {  	s0 =	srdreg.scid;
	s1 =	rddreg [dreg:$0x2];
	s3 =	simm.s32 $0x0  }
0x4: {  	s13 =	simm.s32 $0x13C00;
	s14 =	simm.s32 $0x13C80;
	s6 =	sand.u32 $0x1, s0  }
0x5: {  	s15 =	simm.s32 $0x50;
	s0 =	stileid.u32;
	s4 =	smul.u32 $0x27100, s6  }
0x6: {  	s16 =	simm.s32 $0x13D00;
	s17 =	simm.s32 $0x1;
	s7 =	smul.u32 $0x2710, s0  }
0x7: {  	s18 =	simm.s32 $0x0;
	[smem:$0x7FF] =	sst s3;
	s25 =	smul.u32 $0x2780, s0  }
0x8: {  	s9 =	smul.u32 $0x27800, s6;
	_ =	strace $0x8000004D;
	s6 =	ssub.s32 $0x2, s6  }
0x9: {  	s28 =	smul.u32 $0x4F000, s0;
	s31 =	sshll.u32 s0, $0x6;
	s29 =	sshrl.u32 s6, $0x1  }
0xa: {  	s4 =	sadd.s32 s7, s4;
	s26 =	sadd.s32 s25, s9;
	s7 =	sadd.s32 s25, s5  }
0xb: {  	s11 =	ssub.s32 s6, s29;
	s30 =	sshrl.u32 s28, $0x2;
	s6 =	sor.u32 $0x1C02, s31  }
0xc: {  	s8 =	sshrl.u32 s4, $0x3;
	s4 =	sadd.s32 $0x16200, s5;
	s12 =	sadd.s32 s30, s2  }
0xd: {  	s10 =	sadd.s32 s8, s5;
	s8 =	sadd.s32 s26, s5;
	s5 =	sadd.s32 $0x3D400, s7  }
0xe: {  	s7 =	sadd.s32 $0x64C00, s8;
	s8 =	smax.u32 s11, $0x1;
	s9 =	sadd.s32 $0x2600, s10  }
0xf: {  	s10 =	sadd.s32 $0xC400, s10;
	s11 =	sshrl.u32 s12, $0x3;
	s12 =	simm.s32 $0x2  }
.LBB2_1:
0x10: {  	[spmem:s11], [sflag:s6] =	dma.local [hbm:s5], $0x2780  }
0x11: {  	_ =	swait.ge [sflag:s12], $0x2780  }
0x12: {  	[sflag:s12] =	ssyncset.done $0x0  }
0x13: {  	[sflag:s12] =	ssyncadd.s32 $0xFFFFD880  }
0x14: {  	s19 =	sadd.s32 $0x0, s10;
	[bflag:$0x0] =	sbarrier.arrive $0xFFFF  }
0x15: {  	[tilespmem:s13], [sflag:$0x2] =	stream.linear.gather [hbm4b:s19+s3], $0x50, $0x38;
	[tilespmem:$0x16500] =	vst v63  }
0x16: {  	_ =	swait.ge [sflag:s12], $0x50  }
0x17: {  	[sflag:s12] =	ssyncset.done $0x0  }
0x18: {  	s31 =	sadd.s32 $0x0, s9;
	[sflag:s12] =	ssyncadd.s32 $0xFFFFFFB0  }
0x19: {  	[tilespmem:s14], [sflag:$0x2] =	stream.linear.gather [hbm4b:s31+s3], $0x50, $0x38;
	[tilespmem:$0x16500] =	vst v63  }
0x1a: {  	_ =	swait.ge [sflag:s12], $0x50  }
0x1b: {  	[sflag:s12] =	ssyncset.done $0x0  }
0x1c: {  	[sflag:s12] =	ssyncadd.s32 $0xFFFFFFB0  }
0x1d: {  	[tilespmem:s16], [sflag:$0x1] =	stream.indirect.gather [hbm4b:s4+s15], $0x80, s13, s15, $0xb8;
	[tilespmem:$0x16500] =	vst v63  }
0x1e: {  	_ =	swait.ge [sflag:s17], $0x2800  }
0x1f: {  	[sflag:s17] =	ssyncset.done $0x0  }
0x20: {  	[sflag:s17] =	ssyncadd.s32 $0xFFFFD800  }
0x21: {  	[spmem:s2] =	stream.indirect.scatter.add.f32 [tilespmem:s16], [sflag:$0x2], $0x80, s14, s15, $0xb8;
	[tilespmem:$0x16500] =	vst v63  }
0x22: {  	_ =	swait.ge [sflag:s12], $0x2800  }
0x23: {  	s20 =	simm.s32 $0x14;
	s19 =	simm.s32 $0xA;
	[sflag:s12] =	ssyncset.done $0x0  }
.LBB2_2:
0x24: {  	s21 =	sadd.s32 s19, s10  }
0x25: {  	[sflag:s12] =	ssyncadd.s32 $0xFFFFD800;
	s22 =	smov.u32 s20;
	s23 =	sadd.s32 $0xA, s20  }
0x26: {  	[tilespmem:s13], [sflag:$0x2] =	stream.linear.gather [hbm4b:s21+s3], $0x50, $0x38;
	[tilespmem:$0x16500] =	vst v63  }
0x27: {  	p0 =	sne.s32 s20, $0x4D8;
	_ =	swait.ge [sflag:s12], $0x50  }
0x28: {  	[sflag:s12] =	ssyncset.done $0x0  }
0x29: {  	s20 =	sadd.s32 s19, s9;
	s19 =	smov.u32 s22;
	[sflag:s12] =	ssyncadd.s32 $0xFFFFFFB0  }
0x2a: {  	[tilespmem:s14], [sflag:$0x2] =	stream.linear.gather [hbm4b:s20+s3], $0x50, $0x38;
	[tilespmem:$0x16500] =	vst v63  }
0x2b: {  	_ =	swait.ge [sflag:s12], $0x50  }
0x2c: {  	[sflag:s12] =	ssyncset.done $0x0  }
0x2d: {  	[sflag:s12] =	ssyncadd.s32 $0xFFFFFFB0  }
0x2e: {  	[tilespmem:s16], [sflag:$0x1] =	stream.indirect.gather [hbm4b:s4+s15], $0x80, s13, s15, $0xb8;
	[tilespmem:$0x16500] =	vst v63  }
0x2f: {  	_ =	swait.ge [sflag:s17], $0x2800  }
.Ltmp0:
0x30: {  	[sflag:s17] =	ssyncset.done $0x0;
	(pc) =	sbr.rel @p0 .LBB2_2-.Ltmp0, $4  }
0x31: {  	[sflag:s17] =	ssyncadd.s32 $0xFFFFD800  }
0x32: {  	[spmem:s2] =	stream.indirect.scatter.add.f32 [tilespmem:s16], [sflag:$0x2], $0x80, s14, s15, $0xb8;
	[tilespmem:$0x16500] =	vst v63  }
0x33: {  	_ =	swait.ge [sflag:s12], $0x2800  }
0x34: {  	s20 =	smov.u32 s23;
	[sflag:s12] =	ssyncset.done $0x0  }
0x35: {  	s20 =	sadd.s32 s19, s10;
	[sflag:s12] =	ssyncadd.s32 $0xFFFFD800  }
0x36: {  	[tilespmem:s13], [sflag:$0x2] =	stream.linear.gather [hbm4b:s20+s3], $0x50, $0x38;
	[tilespmem:$0x16500] =	vst v63  }
0x37: {  	_ =	swait.ge [sflag:s12], $0x50  }
0x38: {  	[sflag:s12] =	ssyncset.done $0x0  }
0x39: {  	s31 =	sadd.s32 s19, s9;
	[sflag:s12] =	ssyncadd.s32 $0xFFFFFFB0  }
0x3a: {  	[tilespmem:s14], [sflag:$0x2] =	stream.linear.gather [hbm4b:s31+s3], $0x50, $0x38;
	[tilespmem:$0x16500] =	vst v63  }
0x3b: {  	_ =	swait.ge [sflag:s12], $0x50  }
0x3c: {  	[sflag:s12] =	ssyncset.done $0x0  }
0x3d: {  	[sflag:s12] =	ssyncadd.s32 $0xFFFFFFB0  }
0x3e: {  	[tilespmem:s16], [sflag:$0x1] =	stream.indirect.gather [hbm4b:s4+s15], $0x80, s13, s15, $0xb8;
	[tilespmem:$0x16500] =	vst v63  }
0x3f: {  	_ =	swait.ge [sflag:s17], $0x2800  }
0x40: {  	[sflag:s17] =	ssyncset.done $0x0  }
0x41: {  	[sflag:s17] =	ssyncadd.s32 $0xFFFFD800  }
0x42: {  	[spmem:s2] =	stream.indirect.scatter.add.f32 [tilespmem:s16], [sflag:$0x2], $0x80, s14, s15, $0xb8;
	[tilespmem:$0x16500] =	vst v63  }
0x43: {  	_ =	swait.ge [sflag:s12], $0x2800  }
0x44: {  	s18 =	sadd.s32 $0x1, s18;
	[sflag:s12] =	ssyncset.done $0x0  }
0x45: {  	p0 =	sne.s32 s18, s8;
	[sflag:s12] =	ssyncadd.s32 $0xFFFFD800  }
.Ltmp1:
0x46: {  	[bflag:$0x0] =	sbarrier.arrive $0xFFFF;
	(pc) =	sbr.rel @p0 .LBB2_1-.Ltmp1, $4  }
0x47: {  	[hbm:s7], [sflag:s6] =	dma.local [spmem:s11], $0x2780  }
0x48: {  	_ =	swait.ge [sflag:s12], $0x2780  }
0x49: {  	[sflag:s12] =	ssyncset.done $0x0  }
0x4a: {  	[sflag:s12] =	ssyncadd.s32 $0xFFFFD880  }
0x4b: {  	_ =	sfence.sel $0x180000  }
0x4c: {  	[bflag:$0x0] =	sbarrier.arrive $0xFFFF  }
0x4d: {  	p0 =	sne.s32 s0, $0x0;
	_ =	strace $0x9000004D  }
0x4e: {  	s0 =	sadd.s32 @!p0 $0x100000, s1;
	[bflag:$0x2] =	sbarrier.arrive $0xFFFF  }
0x4f: {  	[sflag:s0] =	ssyncadd.tile.s32 @!p0 $0x1;
	_ =	shalt  }
.Lfunc_end2:
_tile_overlayer_lowered:
.L_overlay_start_2:
0x50: {  	(tag) =	ssettag $0x2  }
0x51: {  	s0 =	rddreg [dreg:$0x0];
	s2 =	stileid.u32  }
0x52: {  	s1 =	rddreg [dreg:$0x1];
	p0 =	sne.s32 s2, $0x0  }
0x53: {  	s3 =	rddreg [dreg:$0x2];
	[bflag:$0x3] =	sbarrier.arrive $0xFFFF;
	s2 =	simm.s32 @!p0 $0x1C02  }
0x54: {  	[timem:s3], [sflag:s2] =	dma.local @!p0 [hbm:s0], s1  }
0x55: {  	s0 =	simm.s32 @!p0 $0x2  }
0x56: {  	_ =	swait.ge @!p0 [sflag:s0], s1  }
0x57: {  	s1 =	ssub.s32 @!p0 $0x0, s1;
	[sflag:s0] =	ssyncset.done @!p0 $0x0  }
0x58: {  	[sflag:s0] =	ssyncadd.s32 @!p0 s1  }
0x59: {  	[bflag:$0x3] =	sbarrier.arrive $0xFFFF  }
0x5a: {  	_ =	shalt  }

// kernel: kernel.9.cloned.1.call-start
scs
__scs_entry_jumppad:
0x0: {  	(pc) =	sbr.rel $0x88, $3  }
0x1: {  	(tag) =	ssettag $0x0;
	lr =	simm.s32 $0x1  }
0x2: {  	[smem:$0x3F94] =	sst lr;
	_ =	strace $0xD0000000  }
0x3: {  	_ = 	snop  }
0x4: {  	_ = 	snop  }
0x5: {  	_ = 	snop  }
0x6: {  	_ = 	snop  }
0x7: {  	_ = 	snop  }
__scs_overlays_trampoline_lowered:
0x8: {  	[smem:$0x3FA3] =	sst s0  }
0x9: {  	[smem:$0x3FA4] =	sst s1  }
0xa: {  	[smem:$0x3FA5] =	sst s2  }
0xb: {  	[smem:$0x3FA6] =	sst s3  }
0xc: {  	[smem:$0x3FA7] =	sst s4  }
0xd: {  	[smem:$0x3FA8] =	sst s5  }
0xe: {  	[smem:$0x3FA9] =	sst s6  }
0xf: {  	[smem:$0x3FAA] =	sst s7  }
0x10: {  	[smem:$0x3FAB] =	sst s8  }
0x11: {  	[smem:$0x3FAC] =	sst s9;
	s0 =	simm.s32 @!p0 $0x0  }
0x12: {  	s1 =	sld [smem:$0x3F92];
	s0 =	simm.s32 @p0 $0x1  }
0x13: {  	[smem:$0x3FAD] =	sst s0;
	s0 =	simm.s32 @!p1 $0x0  }
0x14: {  	s2 =	sld [smem:$0x3F91];
	s0 =	simm.s32 @p1 $0x1  }
0x15: {  	[smem:$0x3FAE] =	sst s0;
	s0 =	simm.s32 @!p2 $0x0  }
0x16: {  	s3 =	sld [smem:$0x3FDB];
	s0 =	simm.s32 @p2 $0x1  }
0x17: {  	s4 =	simm.s32 $0x1BF5;
	[smem:$0x3FB0] =	sst s0  }
0x18: {  	s0 =	sld [smem:$0x3F93];
	_ =	swait.ge [sflag:s4], $0x0  }
0x19: {  	s7 =	sld [smem:$0x3F94]  }
0x1a: {  	s8 =	sadd.s32 $0xFFFFE003, lr  }
0x1b: {  	s9 =	sadd.s32 $0xFFFFFEF7, lr;
	s5 =	simm.s32 $0xFFFFFFFF;
	p2 =	slt.u32 s8, $0xFFFFF086  }
0x1c: {  	p1 =	slt.u32 s9, $0xF7A;
	s5 =	simm.s32 @!p2 $0x0  }
0x1d: {  	s5 =	simm.s32 @p1 $0x1;
	p0 =	seq.s32 s7, s2  }
0x1e: {  	s7 =	smul.u32 @!p0 $0xF7A, s2;
	p2 =	seq.s32 @!p0 s5, $0x0  }
0x1f: {  	s9 =	smul.u32 $0xF7A, s1;
	s8 =	simm.s32 @!p0 $0x1BF5;
	p2 =	por !p2, p0  }
0x20: {  	[sflag:s8] =	ssyncset.s32 @!p0 $0xFFFFF086;
	s6 =	sadd.s32 @!p0 s3, s7;
	s7 =	simm.s32 @!p0 $0x108  }
0x21: {  	s3 =	sadd.s32 s3, s9;
	s6 =	sadd.s32 @!p0 $0x88, s6;
	s7 =	simm.s32 @p2 $0x1082  }
0x22: {  	[simem:s7], [sflag:s8] =	dma.local @!p0 [hbm:s6], $0xF7A  }
0x23: {  	s9 =	sor.u32 $0xD0000000, s2;
	s6 =	simm.s32 $0x108;
	_ =	swait.ge @!p0 [sflag:s8], $0x0  }
0x24: {  	s3 =	sadd.s32 $0x88, s3;
	s6 =	simm.s32 @!p1 $0x1082;
	[sflag:s4] =	ssyncset.s32 $0xFFFFF086  }
0x25: {  	[simem:s6], [sflag:s4] =	dma.local [hbm:s3], $0xF7A  }
0x26: {  	[smem:$0x3F94] =	sst s1;
	(tag) =	ssettag s2;
	_ =	strace s9  }
0x27: {  	s1 =	sld [smem:$0x3FA4]  }
0x28: {  	s2 =	sld [smem:$0x3FA5]  }
0x29: {  	s4 =	sld [smem:$0x3FA7]  }
0x2a: {  	p0 =	seq.s32 s5, $0x0;
	s5 =	sld [smem:$0x3FA8]  }
0x2b: {  	s6 =	sld [smem:$0x3FA9]  }
0x2c: {  	s7 =	sld [smem:$0x3FAA]  }
0x2d: {  	s3 =	simm.s32 $0x108;
	s8 =	sld [smem:$0x3FAB]  }
0x2e: {  	s3 =	simm.s32 @!p0 $0x1082;
	s9 =	sld [smem:$0x3FAC]  }
0x2f: {  	lr =	sadd.s32 s0, s3;
	s0 =	sld [smem:$0x3FA3]  }
0x30: {  	s3 =	sld [smem:$0x3FA6]  }
0x31: {  	[smem:$0x3FAF] =	sst s10  }
0x32: {  	s10 =	sld [smem:$0x3FAD];
	_ =	sdelay $0x3  }
0x33: {  	p0 =	seq.s32 s10, $0x1;
	s10 =	sld [smem:$0x3FAF];
	_ =	sdelay $0x3  }
0x34: {  	[smem:$0x3FAF] =	sst s10  }
0x35: {  	s10 =	sld [smem:$0x3FAE];
	_ =	sdelay $0x3  }
0x36: {  	p1 =	seq.s32 s10, $0x1;
	s10 =	sld [smem:$0x3FAF];
	_ =	sdelay $0x3  }
0x37: {  	[smem:$0x3FAF] =	sst s10  }
0x38: {  	s10 =	sld [smem:$0x3FB0]  }
0x39: {  	_ = 	snop;
	(pc) =	sbr.ind lr, $3  }
0x3a: {  	_ = 	snop  }
0x3b: {  	_ = 	snop  }
0x3c: {  	p2 =	seq.s32 s10, $0x1;
	s10 =	sld [smem:$0x3FAF]  }
0x3d: {  	_ =	shalt  }
0x3e: {  	_ =	shalt  }
0x3f: {  	_ =	shalt  }
0x40: {  	_ =	shalt  }
0x41: {  	_ =	shalt  }
0x42: {  	_ =	shalt  }
0x43: {  	_ =	shalt  }
0x44: {  	_ =	shalt  }
0x45: {  	_ =	shalt  }
0x46: {  	_ =	shalt  }
0x47: {  	_ =	shalt  }
0x48: {  	_ =	shalt  }
0x49: {  	_ =	shalt  }
0x4a: {  	_ =	shalt  }
0x4b: {  	_ =	shalt  }
0x4c: {  	_ =	shalt  }
0x4d: {  	_ =	shalt  }
0x4e: {  	_ =	shalt  }
0x4f: {  	_ =	shalt  }
0x50: {  	_ =	shalt  }
0x51: {  	_ =	shalt  }
0x52: {  	_ =	shalt  }
0x53: {  	_ =	shalt  }
0x54: {  	_ =	shalt  }
0x55: {  	_ =	shalt  }
0x56: {  	_ =	shalt  }
0x57: {  	_ =	shalt  }
0x58: {  	_ =	shalt  }
0x59: {  	_ =	shalt  }
0x5a: {  	_ =	shalt  }
0x5b: {  	_ =	shalt  }
0x5c: {  	_ =	shalt  }
0x5d: {  	_ =	shalt  }
0x5e: {  	_ =	shalt  }
0x5f: {  	_ =	shalt  }
0x60: {  	_ =	shalt  }
0x61: {  	_ =	shalt  }
0x62: {  	_ =	shalt  }
0x63: {  	_ =	shalt  }
0x64: {  	_ =	shalt  }
0x65: {  	_ =	shalt  }
0x66: {  	_ =	shalt  }
0x67: {  	_ =	shalt  }
0x68: {  	_ =	shalt  }
0x69: {  	_ =	shalt  }
0x6a: {  	_ =	shalt  }
0x6b: {  	_ =	shalt  }
0x6c: {  	_ =	shalt  }
0x6d: {  	_ =	shalt  }
0x6e: {  	_ =	shalt  }
0x6f: {  	_ =	shalt  }
0x70: {  	_ =	shalt  }
0x71: {  	_ =	shalt  }
0x72: {  	_ =	shalt  }
0x73: {  	_ =	shalt  }
0x74: {  	_ =	shalt  }
0x75: {  	_ =	shalt  }
0x76: {  	_ =	shalt  }
0x77: {  	_ =	shalt  }
0x78: {  	_ =	shalt  }
0x79: {  	_ =	shalt  }
0x7a: {  	_ =	shalt  }
0x7b: {  	_ =	shalt  }
0x7c: {  	_ =	shalt  }
0x7d: {  	_ =	shalt  }
0x7e: {  	_ =	shalt  }
0x7f: {  	_ =	shalt  }
0x80: {  	_ =	shalt  }
0x81: {  	_ =	shalt  }
0x82: {  	_ =	shalt  }
0x83: {  	_ =	shalt  }
0x84: {  	_ =	shalt  }
0x85: {  	_ =	shalt  }
0x86: {  	_ =	shalt  }
0x87: {  	_ =	shalt  }
.Lfunc_end0:
.L_simem_size_0:
called_computation_lowered:
.L_overlay_start_0:
0x88: {  	s2 =	sld [smem:$0x3FD9]  }
0x89: {  	s3 =	sld [smem:$0x3FFE];
	_ =	sdelay $0x1  }
0x8a: {  	s1 =	srdreg.scid  }
0x8b: {  	s0 =	sand.u32 $0x1, s1  }
0x8c: {  	s16 =	sshll.u32 s0, $0xA;
	s2 =	sadd.s32 s3, s2  }
0x8d: {  	s2 =	sadd.s32 s2, s16  }
0x8e: {  	[smem:$0x3FBB] =	sst s2  }
0x8f: {  	_ = 	snop  }
0x90: {  	(tm) =	ssettm $0x1  }
0x91: {  	s17 =	sld [smem:$0x3FFB];
	_ =	sdelay $0x3  }
0x92: {  	_ =	strace s17  }
0x93: {  	s2 =	sld [smem:$0x3FFC];
	_ =	sdelay $0x3  }
0x94: {  	_ =	strace s2  }
0x95: {  	s2 =	sld [smem:$0x3FFD];
	_ =	sdelay $0x3  }
0x96: {  	_ =	strace s2  }
0x97: {  	_ =	strace $0x8FFFFFFF  }
0x98: {  	s18 =	sld [smem:$0x3FDB];
	_ =	sdelay $0x1  }
0x99: {  	s19 =	simm.s32 $_scs_section_size  }
0x9a: {  	s4 =	simm.s32 $_size__tile_overlayer_lowered;
	s5 =	simm.s32 $_tile_overlayer_lowered  }
0x9b: {  	s22 =	simm.s32 $0x1BFF;
	s21 =	sshll.u32 s5, $0x1;
	s2 =	sadd.s32 s19, s18  }
0x9c: {  	s6 =	simm.s32 $0x0;
	s20 =	sshll.u32 s4, $0x1;
	s4 =	sadd.s32 s21, s2  }
0x9d: {  	[timem:s6], [sflag:s22] =	dma.local [hbm:s4], s20  }
0x9e: {  	_ =	swait.ge [sflag:s22], s20  }
0x9f: {  	s3 =	ssub.s32 $0x0, s20;
	[sflag:s22] =	ssyncset.done $0x0  }
0xa0: {  	[sflag:s22] =	ssyncadd.s32 s3;
	_ =	sdelay $0x1  }
0xa1: {  	s23 =	simm.s32 $0x1B8B  }
0xa2: {  	_ =	swait.ge [sflag:s23], $0x1  }
0xa3: {  	[sflag:s23] =	ssyncset.done $0x0  }
0xa4: {  	s25 =	simm.s32 $0x1B8E;
	s24 =	sld [smem:$0x3FFE];
	[sflag:s23] =	ssyncadd.s32 $0xFFFFFFFF  }
0xa5: {  	s26 =	simm.s32 $execute0_lowered;
	[smem:$0x3FD2] =	sst s25  }
0xa6: {  	s4 =	sshll.u32 s26, $0x1;
	_ =	strace $0x80000046;
	[dreg:$0x1] =	wrdreg $0xFFFFFFFF  }
0xa7: {  	s28 =	simm.s32 $_size_execute0_lowered;
	s2 =	sadd.s32 s2, s4;
	[dreg:$0x0] =	wrdreg $0x0  }
0xa8: {  	s4 =	sshll.u32 s28, $0x1;
	[dreg:$0x2] =	wrdreg s2  }
0xa9: {  	[dreg:$0x3] =	wrdreg s4  }
0xaa: {  	[dreg:$0x4] =	wrdreg $0xC0  }
0xab: {  	_ =	task [dreg:s6], $0x5FFFF  }
0xac: {  	[dreg:$0x1] =	wrdreg $0xFFFFFFFF  }
0xad: {  	[dreg:$0x0] =	wrdreg $0x60  }
0xae: {  	[dreg:$0x2] =	wrdreg s24  }
0xaf: {  	[dreg:$0x3] =	wrdreg $0x0  }
0xb0: {  	[dreg:$0x4] =	wrdreg $0x9  }
0xb1: {  	_ =	task.clear_ibuf [dreg:s6], $0x5FFFF;
	_ =	strace $0x90000046  }
0xb2: {  	s29 =	simm.s32 $0x9;
	_ =	strace $0x80000048  }
0xb3: {  	_ =	swait.ge [sflag:s29], $0x1  }
0xb4: {  	[sflag:s29] =	ssyncadd.s32 $0xFFFFFFFF  }
0xb5: {  	_ =	strace $0x90000048  }
0xb6: {  	_ =	sfence  }
0xb7: {  	s30 =	sld [smem:$0x0];
	_ =	sdelay $0x2  }
0xb8: {  	s31 =	sshll.u32 s1, $0xD;
	s1 =	sshrl.u32 s1, $0x2  }
0xb9: {  	s3 =	sand.u32 $0x4000, s31;
	s1 =	sadd.s32 s1, s30  }
0xba: {  	s0 =	sor.u32 s3, s0;
	s1 =	sshll.u32 s1, $0x11  }
0xbb: {  	s0 =	sor.u32 s1, s0  }
0xbc: {  	s0 =	sadd.s32 $0x8F2B, s0  }
0xbd: {  	[sflag:s0] =	ssyncadd.remote.s32 $0x1  }
0xbe: {  	_ =	sfence.sel $0xFFFF  }
0xbf: {  	[dreg:$0x0] =	wrdreg $0xFFFFFFFF;
	(pc) =	sbr.abs _section_cstart, $3  }
0xc0: {  	[dreg:$0x1] =	wrdreg $0xFFFFFFFF  }
0xc1: {  	_ =	task.clear_ibuf [dreg:s6], $0x2FFFF;
	_ =	strace $0x9FFFFFFF  }
0xc2: {  	(tm) =	ssettm $0x7FFFFFFF  }
0xc3: {  	_ =	shalt  }
tec
execute0_lowered:
.L_overlay_start_1:
0x0: {  	(tag) =	ssettag $0x1  }
0x1: {  	s5 =	rddreg [dreg:$0x0]  }
0x2: {  	s2 =	rddreg [dreg:$0x1]  }
0x3: {  	s0 =	srdreg.scid;
	s1 =	rddreg [dreg:$0x2];
	s3 =	simm.s32 $0x0  }
0x4: {  	s13 =	simm.s32 $0x13C00;
	s14 =	simm.s32 $0x13C80;
	s6 =	sand.u32 $0x1, s0  }
0x5: {  	s15 =	simm.s32 $0x50;
	s0 =	stileid.u32;
	s4 =	smul.u32 $0x27100, s6  }
0x6: {  	s16 =	simm.s32 $0x13D00;
	s17 =	simm.s32 $0x1;
	s7 =	smul.u32 $0x2710, s0  }
0x7: {  	s18 =	simm.s32 $0x0;
	[smem:$0x7FF] =	sst s3;
	s25 =	smul.u32 $0x2780, s0  }
0x8: {  	s9 =	smul.u32 $0x27800, s6;
	_ =	strace $0x80000047;
	s6 =	ssub.s32 $0x2, s6  }
0x9: {  	s28 =	smul.u32 $0x4F000, s0;
	s31 =	sshll.u32 s0, $0x6;
	s29 =	sshrl.u32 s6, $0x1  }
0xa: {  	s4 =	sadd.s32 s7, s4;
	s26 =	sadd.s32 s25, s9;
	s7 =	sadd.s32 s25, s5  }
0xb: {  	s11 =	ssub.s32 s6, s29;
	s30 =	sshrl.u32 s28, $0x2;
	s6 =	sor.u32 $0x1C02, s31  }
0xc: {  	s8 =	sshrl.u32 s4, $0x3;
	s4 =	sadd.s32 $0x16200, s5;
	s12 =	sadd.s32 s30, s2  }
0xd: {  	s10 =	sadd.s32 s8, s5;
	s8 =	sadd.s32 s26, s5;
	s5 =	sadd.s32 $0x3D400, s7  }
0xe: {  	s7 =	sadd.s32 $0x64C00, s8;
	s8 =	smax.u32 s11, $0x1;
	s9 =	sadd.s32 $0x2600, s10  }
0xf: {  	s10 =	sadd.s32 $0xC400, s10;
	s11 =	sshrl.u32 s12, $0x3;
	s12 =	simm.s32 $0x2  }
.LBB2_1:
0x10: {  	[spmem:s11], [sflag:s6] =	dma.local [hbm:s5], $0x2780  }
0x11: {  	_ =	swait.ge [sflag:s12], $0x2780  }
0x12: {  	[sflag:s12] =	ssyncset.done $0x0  }
0x13: {  	[sflag:s12] =	ssyncadd.s32 $0xFFFFD880  }
0x14: {  	s19 =	sadd.s32 $0x0, s10;
	[bflag:$0x0] =	sbarrier.arrive $0xFFFF  }
0x15: {  	[tilespmem:s13], [sflag:$0x2] =	stream.linear.gather [hbm4b:s19+s3], $0x50, $0x38;
	[tilespmem:$0x16500] =	vst v63  }
0x16: {  	_ =	swait.ge [sflag:s12], $0x50  }
0x17: {  	[sflag:s12] =	ssyncset.done $0x0  }
0x18: {  	s31 =	sadd.s32 $0x0, s9;
	[sflag:s12] =	ssyncadd.s32 $0xFFFFFFB0  }
0x19: {  	[tilespmem:s14], [sflag:$0x2] =	stream.linear.gather [hbm4b:s31+s3], $0x50, $0x38;
	[tilespmem:$0x16500] =	vst v63  }
0x1a: {  	_ =	swait.ge [sflag:s12], $0x50  }
0x1b: {  	[sflag:s12] =	ssyncset.done $0x0  }
0x1c: {  	[sflag:s12] =	ssyncadd.s32 $0xFFFFFFB0  }
0x1d: {  	[tilespmem:s16], [sflag:$0x1] =	stream.indirect.gather [hbm4b:s4+s15], $0x80, s13, s15, $0xb8;
	[tilespmem:$0x16500] =	vst v63  }
0x1e: {  	_ =	swait.ge [sflag:s17], $0x2800  }
0x1f: {  	[sflag:s17] =	ssyncset.done $0x0  }
0x20: {  	[sflag:s17] =	ssyncadd.s32 $0xFFFFD800  }
0x21: {  	[spmem:s2] =	stream.indirect.scatter.add.f32 [tilespmem:s16], [sflag:$0x2], $0x80, s14, s15, $0xb8;
	[tilespmem:$0x16500] =	vst v63  }
0x22: {  	_ =	swait.ge [sflag:s12], $0x2800  }
0x23: {  	s20 =	simm.s32 $0x14;
	s19 =	simm.s32 $0xA;
	[sflag:s12] =	ssyncset.done $0x0  }
.LBB2_2:
0x24: {  	s21 =	sadd.s32 s19, s10  }
0x25: {  	[sflag:s12] =	ssyncadd.s32 $0xFFFFD800;
	s22 =	smov.u32 s20;
	s23 =	sadd.s32 $0xA, s20  }
0x26: {  	[tilespmem:s13], [sflag:$0x2] =	stream.linear.gather [hbm4b:s21+s3], $0x50, $0x38;
	[tilespmem:$0x16500] =	vst v63  }
0x27: {  	p0 =	sne.s32 s20, $0x4D8;
	_ =	swait.ge [sflag:s12], $0x50  }
0x28: {  	[sflag:s12] =	ssyncset.done $0x0  }
0x29: {  	s20 =	sadd.s32 s19, s9;
	s19 =	smov.u32 s22;
	[sflag:s12] =	ssyncadd.s32 $0xFFFFFFB0  }
0x2a: {  	[tilespmem:s14], [sflag:$0x2] =	stream.linear.gather [hbm4b:s20+s3], $0x50, $0x38;
	[tilespmem:$0x16500] =	vst v63  }
0x2b: {  	_ =	swait.ge [sflag:s12], $0x50  }
0x2c: {  	[sflag:s12] =	ssyncset.done $0x0  }
0x2d: {  	[sflag:s12] =	ssyncadd.s32 $0xFFFFFFB0  }
0x2e: {  	[tilespmem:s16], [sflag:$0x1] =	stream.indirect.gather [hbm4b:s4+s15], $0x80, s13, s15, $0xb8;
	[tilespmem:$0x16500] =	vst v63  }
0x2f: {  	_ =	swait.ge [sflag:s17], $0x2800  }
.Ltmp0:
0x30: {  	[sflag:s17] =	ssyncset.done $0x0;
	(pc) =	sbr.rel @p0 .LBB2_2-.Ltmp0, $4  }
0x31: {  	[sflag:s17] =	ssyncadd.s32 $0xFFFFD800  }
0x32: {  	[spmem:s2] =	stream.indirect.scatter.add.f32 [tilespmem:s16], [sflag:$0x2], $0x80, s14, s15, $0xb8;
	[tilespmem:$0x16500] =	vst v63  }
0x33: {  	_ =	swait.ge [sflag:s12], $0x2800  }
0x34: {  	s20 =	smov.u32 s23;
	[sflag:s12] =	ssyncset.done $0x0  }
0x35: {  	s20 =	sadd.s32 s19, s10;
	[sflag:s12] =	ssyncadd.s32 $0xFFFFD800  }
0x36: {  	[tilespmem:s13], [sflag:$0x2] =	stream.linear.gather [hbm4b:s20+s3], $0x50, $0x38;
	[tilespmem:$0x16500] =	vst v63  }
0x37: {  	_ =	swait.ge [sflag:s12], $0x50  }
0x38: {  	[sflag:s12] =	ssyncset.done $0x0  }
0x39: {  	s31 =	sadd.s32 s19, s9;
	[sflag:s12] =	ssyncadd.s32 $0xFFFFFFB0  }
0x3a: {  	[tilespmem:s14], [sflag:$0x2] =	stream.linear.gather [hbm4b:s31+s3], $0x50, $0x38;
	[tilespmem:$0x16500] =	vst v63  }
0x3b: {  	_ =	swait.ge [sflag:s12], $0x50  }
0x3c: {  	[sflag:s12] =	ssyncset.done $0x0  }
0x3d: {  	[sflag:s12] =	ssyncadd.s32 $0xFFFFFFB0  }
0x3e: {  	[tilespmem:s16], [sflag:$0x1] =	stream.indirect.gather [hbm4b:s4+s15], $0x80, s13, s15, $0xb8;
	[tilespmem:$0x16500] =	vst v63  }
0x3f: {  	_ =	swait.ge [sflag:s17], $0x2800  }
0x40: {  	[sflag:s17] =	ssyncset.done $0x0  }
0x41: {  	[sflag:s17] =	ssyncadd.s32 $0xFFFFD800  }
0x42: {  	[spmem:s2] =	stream.indirect.scatter.add.f32 [tilespmem:s16], [sflag:$0x2], $0x80, s14, s15, $0xb8;
	[tilespmem:$0x16500] =	vst v63  }
0x43: {  	_ =	swait.ge [sflag:s12], $0x2800  }
0x44: {  	s18 =	sadd.s32 $0x1, s18;
	[sflag:s12] =	ssyncset.done $0x0  }
0x45: {  	p0 =	sne.s32 s18, s8;
	[sflag:s12] =	ssyncadd.s32 $0xFFFFD800  }
.Ltmp1:
0x46: {  	[bflag:$0x0] =	sbarrier.arrive $0xFFFF;
	(pc) =	sbr.rel @p0 .LBB2_1-.Ltmp1, $4  }
0x47: {  	[hbm:s7], [sflag:s6] =	dma.local [spmem:s11], $0x2780  }
0x48: {  	_ =	swait.ge [sflag:s12], $0x2780  }
0x49: {  	[sflag:s12] =	ssyncset.done $0x0  }
0x4a: {  	[sflag:s12] =	ssyncadd.s32 $0xFFFFD880  }
0x4b: {  	_ =	sfence.sel $0x180000  }
0x4c: {  	[bflag:$0x0] =	sbarrier.arrive $0xFFFF  }
0x4d: {  	p0 =	sne.s32 s0, $0x0;
	_ =	strace $0x90000047  }
0x4e: {  	s0 =	sadd.s32 @!p0 $0x100000, s1;
	[bflag:$0x2] =	sbarrier.arrive $0xFFFF  }
0x4f: {  	[sflag:s0] =	ssyncadd.tile.s32 @!p0 $0x1;
	_ =	shalt  }
.Lfunc_end2:
_tile_overlayer_lowered:
.L_overlay_start_2:
0x50: {  	(tag) =	ssettag $0x2  }
0x51: {  	s0 =	rddreg [dreg:$0x0];
	s2 =	stileid.u32  }
0x52: {  	s1 =	rddreg [dreg:$0x1];
	p0 =	sne.s32 s2, $0x0  }
0x53: {  	s3 =	rddreg [dreg:$0x2];
	[bflag:$0x3] =	sbarrier.arrive $0xFFFF;
	s2 =	simm.s32 @!p0 $0x1C02  }
0x54: {  	[timem:s3], [sflag:s2] =	dma.local @!p0 [hbm:s0], s1  }
0x55: {  	s0 =	simm.s32 @!p0 $0x2  }
0x56: {  	_ =	swait.ge @!p0 [sflag:s0], s1  }
0x57: {  	s1 =	ssub.s32 @!p0 $0x0, s1;
	[sflag:s0] =	ssyncset.done @!p0 $0x0  }
0x58: {  	[sflag:s0] =	ssyncadd.s32 @!p0 s1  }
0x59: {  	[bflag:$0x3] =	sbarrier.arrive $0xFFFF  }
0x5a: {  	_ =	shalt  }

</sc_bundles>
